<compile_context>
chip_gen: v7x
topology: tpu7x:2x2x1
jax: 0.10.2.dev20260603
libtpu: 0.0.44.dev20260713+nightly
codegen_flags: <defaults>
</compile_context>

<pallas_src>
import dataclasses
import functools

import jax
import jax.numpy as jnp
import numpy as np
from jax import lax
from jax.experimental import pallas as pl
from jax.experimental.pallas import tpu as pltpu
from jax.experimental.pallas import tpu_sc as plsc

N = 10000
E = 320000
D = 128

NC = 2
NS = 16
NW = NC * NS

CHUNK = 128
CPT = 80
PASSES = 2
CPP = CPT // PASSES
EPT = CPT * CHUNK
EPAD = NW * EPT
ACC_ROWS = N + 16
HIST = 10240
ROWS_A = 632
ROWS_LAST = N - 15 * ROWS_A
ZROWS_LAST = ACC_ROWS - 15 * ROWS_A

ER = E // CHUNK
TAIL_ROW0 = 2400
TAIL_ROWS = NW * CPT - TAIL_ROW0

_PAD_IDS = np.arange((NW * CPT - ER) * CHUNK, dtype=np.int32)
_PAD_SRC = _PAD_IDS % N
_PAD_DST = N + (_PAD_IDS % 16)

_mesh = plsc.VectorSubcoreMesh(core_axis_name="c", subcore_axis_name="s")

_sc_params = pltpu.CompilerParams()
if "needs_layout_passes" in pltpu.CompilerParams.__dataclass_fields__:
    _sc_params = dataclasses.replace(_sc_params, needs_layout_passes=False)



@functools.partial(
    pl.kernel,
    out_type=jax.ShapeDtypeStruct((NW * HIST,), jnp.float32),
    mesh=_mesh,
    scratch_types=[
        pltpu.VMEM((CPT, CHUNK), jnp.int32),
        pltpu.VMEM((HIST,), jnp.float32),
    ],
    compiler_params=_sc_params,
)
def _degree_hist(edges_hbm, tail_dst_hbm, out_hbm, dstv, hist):
    c = lax.axis_index("c")
    s = lax.axis_index("s")
    wid = c * NS + s
    base = wid * CPT

    @pl.when(base < TAIL_ROW0)
    def _():
        pltpu.sync_copy(edges_hbm.at[1, pl.ds(base, CPT)], dstv)

    @pl.when(base >= TAIL_ROW0)
    def _():
        pltpu.sync_copy(tail_dst_hbm.at[pl.ds(base - TAIL_ROW0, CPT)], dstv)

    @pl.loop(0, HIST, step=16)
    def _(i):
        hist[pl.ds(i, 16)] = jnp.zeros((16,), jnp.float32)

    ones = jnp.ones((16,), jnp.float32)

    @pl.loop(0, CPT)
    def _(r):
        @pl.loop(0, CHUNK, step=16)
        def _(k):
            plsc.addupdate_scatter(hist, [dstv[r, pl.ds(k, 16)]], ones)

    pltpu.sync_copy(hist, out_hbm.at[pl.ds(wid * HIST, HIST)])


@functools.partial(
    pl.kernel,
    out_type=jax.ShapeDtypeStruct((NC, N, D), jnp.float32),
    mesh=_mesh,
    scratch_types=[
        pltpu.VMEM((CPP, CHUNK), jnp.int32),
        pltpu.VMEM((CPP, CHUNK), jnp.int32),
        pltpu.VMEM((CHUNK, D), jnp.float32),
        pltpu.VMEM((CHUNK, D), jnp.float32),
        pltpu.SemaphoreType.DMA,
        pltpu.SemaphoreType.DMA,
        pltpu.SemaphoreType.DMA,
        pltpu.SemaphoreType.DMA,
        pltpu.VMEM_SHARED((ACC_ROWS, D), jnp.float32),
    ],
)
def _propagate_rows(hp_hbm, edges_hbm, tail_src_hbm, tail_dst_hbm, zeros_hbm,
                    out_hbm, srcv, dstv, buf0, buf1, sg0, sg1, ss0, ss1, acc):
    c = lax.axis_index("c")
    s = lax.axis_index("s")
    wid = c * NS + s

    row0 = s * ROWS_A

    @pl.when(s < NS - 1)
    def _():
        pltpu.sync_copy(zeros_hbm, acc.at[pl.ds(row0, ROWS_A)])

    @pl.when(s == NS - 1)
    def _():
        pltpu.sync_copy(zeros_hbm.at[pl.ds(0, ZROWS_LAST)],
                        acc.at[pl.ds(row0, ZROWS_LAST)])

    plsc.subcore_barrier()

    def _gather(j, buf, sem):
        pltpu.async_copy(hp_hbm.at[srcv.at[j]], buf, sem)

    def _wait_gather(j, buf, sem):
        pltpu.make_async_copy(hp_hbm.at[srcv.at[j]], buf, sem).wait()

    def _scatter(j, buf, sem):
        pltpu.async_copy(buf, acc.at[dstv.at[j]], sem, add=True)

    def _wait_scatter(j, buf, sem):
        pltpu.make_async_copy(buf, acc.at[dstv.at[j]], sem).wait()

    for p in range(PASSES):
        base = wid * CPT + p * CPP

        @pl.when(base < TAIL_ROW0)
        def _():
            pltpu.sync_copy(edges_hbm.at[0, pl.ds(base, CPP)], srcv)
            pltpu.sync_copy(edges_hbm.at[1, pl.ds(base, CPP)], dstv)

        @pl.when(base >= TAIL_ROW0)
        def _():
            pltpu.sync_copy(tail_src_hbm.at[pl.ds(base - TAIL_ROW0, CPP)], srcv)
            pltpu.sync_copy(tail_dst_hbm.at[pl.ds(base - TAIL_ROW0, CPP)], dstv)

        _gather(0, buf0, sg0)

        @pl.loop(0, CPP, step=2)
        def _(j):
            @pl.when(j > 0)
            def _():
                _wait_scatter(j - 1, buf1, ss1)

            _gather(j + 1, buf1, sg1)
            _wait_gather(j, buf0, sg0)
            _scatter(j, buf0, ss0)
            _wait_scatter(j, buf0, ss0)

            @pl.when(j + 2 < CPP)
            def _():
                _gather(j + 2, buf0, sg0)

            _wait_gather(j + 1, buf1, sg1)
            _scatter(j + 1, buf1, ss1)

        _wait_scatter(CPP - 1, buf1, ss1)

    plsc.subcore_barrier()

    @pl.when(s < NS - 1)
    def _():
        pltpu.sync_copy(acc.at[pl.ds(row0, ROWS_A)],
                        out_hbm.at[c, pl.ds(row0, ROWS_A)])

    @pl.when(s == NS - 1)
    def _():
        pltpu.sync_copy(acc.at[pl.ds(row0, ROWS_LAST)],
                        out_hbm.at[c, pl.ds(row0, ROWS_LAST)])


SLICE = HIST // NS
CPT2 = NW * CPT // NS


@functools.partial(
    pl.kernel,
    out_type=jax.ShapeDtypeStruct((HIST,), jnp.float32),
    mesh=_mesh,
    scratch_types=[
        pltpu.VMEM((CPT2, CHUNK), jnp.int32),
        pltpu.VMEM((CPT2, CHUNK), jnp.int32),
        pltpu.VMEM((N,), jnp.float32),
        pltpu.VMEM((HIST,), jnp.float32),
        pltpu.VMEM((NS, SLICE), jnp.float32),
        pltpu.VMEM((SLICE,), jnp.float32),
        pltpu.VMEM((SLICE,), jnp.float32),
        pltpu.VMEM((SLICE,), jnp.float32),
        pltpu.VMEM_SHARED((NS, HIST), jnp.float32),
    ],
    compiler_params=_sc_params,
)
def _propagate_scalar_out(h2p_hbm, dinv_hbm, w_hbm, edges_hbm, tail_src_hbm,
                          tail_dst_hbm, out_hbm,
                          srcv, dstv, table, hist, red, dinvv, wv, outv,
                          staging):
    c = lax.axis_index("c")
    s = lax.axis_index("s")

    @pl.when(c == 0)
    def _():
        base = s * CPT2

        @pl.when(base < TAIL_ROW0)
        def _():
            pltpu.sync_copy(edges_hbm.at[0, pl.ds(base, CPT2)], srcv)
            pltpu.sync_copy(edges_hbm.at[1, pl.ds(base, CPT2)], dstv)

        @pl.when(base >= TAIL_ROW0)
        def _():
            pltpu.sync_copy(tail_src_hbm, srcv)
            pltpu.sync_copy(tail_dst_hbm, dstv)

        pltpu.sync_copy(h2p_hbm, table)

        @pl.loop(0, HIST, step=16)
        def _(i):
            hist[pl.ds(i, 16)] = jnp.zeros((16,), jnp.float32)

        @pl.loop(0, CPT2)
        def _(r):
            @pl.loop(0, CHUNK, step=16)
            def _(k):
                vals = plsc.load_gather(table, [srcv[r, pl.ds(k, 16)]])
                plsc.addupdate_scatter(hist, [dstv[r, pl.ds(k, 16)]], vals)

        pltpu.sync_copy(hist, staging.at[s])
        plsc.subcore_barrier()

        pltpu.sync_copy(staging.at[:, pl.ds(s * SLICE, SLICE)], red)
        pltpu.sync_copy(dinv_hbm.at[pl.ds(s * SLICE, SLICE)], dinvv)
        pltpu.sync_copy(w_hbm.at[pl.ds(s * SLICE, SLICE)], wv)

        @pl.loop(0, SLICE, step=16)
        def _(g):
            a = red[0, pl.ds(g, 16)]
            for r in range(1, NS):
                a = a + red[r, pl.ds(g, 16)]
            xx = dinvv[pl.ds(g, 16)] * a + wv[pl.ds(g, 16)]
            outv[pl.ds(g, 16)] = 1.0 / (1.0 + jnp.exp(-xx))

        pltpu.sync_copy(outv, out_hbm.at[pl.ds(s * SLICE, SLICE)])



def _tc_mm_body(x_ref, w1_ref, h1_ref):
    h1_ref[...] = jnp.dot(x_ref[...], w1_ref[...],
                          preferred_element_type=jnp.float32)


_tc_mm = pl.pallas_call(
    _tc_mm_body,
    out_shape=jax.ShapeDtypeStruct((N, D), jnp.float32),
)


def _tc_scale_body(h1_ref, degc_ref, hp_ref, dinv_ref):
    deg = 1.0 + jnp.sum(degc_ref[...], axis=1, keepdims=True)
    dinv = lax.rsqrt(jnp.maximum(deg, 1e-12))
    hp_ref[...] = h1_ref[...] * dinv
    dinv_ref[...] = dinv


_tc_scale = pl.pallas_call(
    _tc_scale_body,
    out_shape=(jax.ShapeDtypeStruct((N, D), jnp.float32),
               jax.ShapeDtypeStruct((N, 1), jnp.float32)),
)


def _tc_mid_body(a0_ref, a1_ref, hp_ref, dinv_ref, b1_ref, w2_ref, b2_ref,
                 h2p_ref, w_ref):
    dinv = dinv_ref[...]
    z = dinv * (a0_ref[...] + a1_ref[...] + hp_ref[...]) + b1_ref[...]
    z = jnp.maximum(z, 0.0)
    h2 = jnp.dot(z, w2_ref[...], preferred_element_type=jnp.float32)
    h2p = h2 * dinv
    h2p_ref[...] = h2p
    w_ref[...] = h2p * dinv + b2_ref[...]


_tc_mid = pl.pallas_call(
    _tc_mid_body,
    out_shape=(jax.ShapeDtypeStruct((N, 1), jnp.float32),
               jax.ShapeDtypeStruct((N, 1), jnp.float32)),
)



def kernel(x, edge_index, W1, b1, W2, b2):
    edges3d = edge_index.reshape(2, ER, CHUNK)
    tail_src = jnp.concatenate(
        [edge_index[0, TAIL_ROW0 * CHUNK:], jnp.asarray(_PAD_SRC)]
    ).reshape(TAIL_ROWS, CHUNK)
    tail_dst = jnp.concatenate(
        [edge_index[1, TAIL_ROW0 * CHUNK:], jnp.asarray(_PAD_DST)]
    ).reshape(TAIL_ROWS, CHUNK)

    deg_flat = _degree_hist(edges3d, tail_dst)
    h1 = _tc_mm(x, W1)
    degc = deg_flat.reshape(NW, HIST)[:, :N].T

    hp, dinv = _tc_scale(h1, degc)
    zeros = jnp.zeros((ROWS_A, D), jnp.float32)
    accs = _propagate_rows(hp, edges3d, tail_src, tail_dst, zeros)
    h2p, w = _tc_mid(accs[0], accs[1], hp, dinv, b1.reshape(1, D), W2,
                     b2.reshape(1, 1))

    dinv_pad = jnp.pad(dinv.reshape(N), (0, HIST - N))
    w_pad = jnp.pad(w.reshape(N), (0, HIST - N))
    out1d = _propagate_scalar_out(h2p.reshape(N), dinv_pad, w_pad,
                                  edges3d, tail_src, tail_dst)
    return out1d[:N].reshape(N, 1)

# --- scband reference (transcript-rebuilt; emitter-appended) ---
"""Pipeline reference for scband-transaction-gnn-25589415150280 (READ-ONLY COPY).

The authoritative reference and input builder live on the scoring server;
editing this copy changes nothing except your own understanding.
"""

import jax, jax.numpy as jnp
import numpy as np

N = 10000
E = 320000
D_IN = 128
D_HID = 128


def _gcn_conv(x, W, b, src, dst, n):
    # PyG GCNConv: add self-loops, symmetric normalization D^-1/2 (A+I) D^-1/2, then x @ W + b
    h = x @ W
    loop = jnp.arange(n, dtype=src.dtype)
    s = jnp.concatenate([src, loop])
    d = jnp.concatenate([dst, loop])
    deg = jax.ops.segment_sum(jnp.ones(s.shape[0], dtype=x.dtype), d, num_segments=n)
    dinv = jax.lax.rsqrt(jnp.maximum(deg, 1e-12))
    norm = dinv[s] * dinv[d]
    msg = h[s] * norm[:, None]
    out = jax.ops.segment_sum(msg, d, num_segments=n)
    return out + b


def setup_inputs(seed: int = 0) -> dict:
    key = jax.random.key(seed)
    k1, k2, k3, k4 = jax.random.split(key, 4)
    x = jax.random.normal(k1, (N, D_IN), dtype=jnp.float32)
    edge_index = jax.random.randint(k2, (2, E), 0, N, dtype=jnp.int32)
    W1 = jax.random.normal(k3, (D_IN, D_HID), dtype=jnp.float32) * (1.0 / np.sqrt(D_IN))
    b1 = jnp.zeros((D_HID,), dtype=jnp.float32)
    W2 = jax.random.normal(k4, (D_HID, 1), dtype=jnp.float32) * (1.0 / np.sqrt(D_HID))
    b2 = jnp.zeros((1,), dtype=jnp.float32)
    return {"x": x, "edge_index": edge_index, "W1": W1, "b1": b1, "W2": W2, "b2": b2}


def reference(x, edge_index, W1, b1, W2, b2):
    src = edge_index[0]
    dst = edge_index[1]
    h = _gcn_conv(x, W1, b1, src, dst, N)
    h = jax.nn.relu(h)
    h = _gcn_conv(h, W2, b2, src, dst, N)
    return jax.nn.sigmoid(h)

if __name__ == "__main__":
    import jax
    _d = setup_inputs()
    print(jax.jit(kernel)(*tuple(_d.values())))

</pallas_src>

<mosaic_0001>
#map = affine_map<(d0, d1) -> (0, 0)>
#map1 = affine_map<(d0, d1) -> (0, 0, 0)>
module attributes {stable_mosaic.version = 14 : i64} {
  func.func @_propagate_rows(%arg0: i32, %arg1: i32, %arg2: memref<10000x128xf32, #tpu.memory_space<hbm>>, %arg3: memref<2x2500x128xi32, #tpu.memory_space<hbm>>, %arg4: memref<160x128xi32, #tpu.memory_space<hbm>>, %arg5: memref<160x128xi32, #tpu.memory_space<hbm>>, %arg6: memref<632x128xf32, #tpu.memory_space<hbm>>, %arg7: memref<2x10000x128xf32, #tpu.memory_space<hbm>>, %arg8: memref<40x128xi32, #tpu.memory_space<vmem>>, %arg9: memref<40x128xi32, #tpu.memory_space<vmem>>, %arg10: memref<128x128xf32, #tpu.memory_space<vmem>>, %arg11: memref<128x128xf32, #tpu.memory_space<vmem>>, %arg12: memref<!tpu.dma_semaphore, #tpu.memory_space<semaphore_mem>>, %arg13: memref<!tpu.dma_semaphore, #tpu.memory_space<semaphore_mem>>, %arg14: memref<!tpu.dma_semaphore, #tpu.memory_space<semaphore_mem>>, %arg15: memref<!tpu.dma_semaphore, #tpu.memory_space<semaphore_mem>>, %arg16: memref<10016x128xf32, #tpu.memory_space<vmem_shared>>) attributes {dimension_semantics = [#tpu.dimension_semantics<core_parallel>, #tpu.dimension_semantics<subcore_parallel>], iteration_bounds = array<i64: 2, 16>, scalar_prefetch = 0 : i64, scratch_operands = 9 : i64, tpu.core_type = #tpu.core_type<sc_vector_subcore>, window_params = [{transform_indices = #map}, {transform_indices = #map1}, {transform_indices = #map}, {transform_indices = #map}, {transform_indices = #map}, {transform_indices = #map1}]} {
    %mul3A = arith.constant 16 : i32
    %mul3A_0 = arith.muli %arg0, %mul3A : i32
    %add3A = arith.addi %mul3A_0, %arg1 : i32
    %mul3A_1 = arith.constant 632 : i32
    %mul3A_2 = arith.muli %arg1, %mul3A_1 : i32
    %lt3A = arith.constant 15 : i32
    %lt3A_3 = arith.cmpi slt, %arg1, %lt3A : i32
    %convert_element_type3A = arith.extui %lt3A_3 : i1 to i32
    %cond3A = arith.constant 0 : i32
    %cond3A_4 = arith.cmpi ne, %convert_element_type3A, %cond3A : i32
    scf.if %cond3A_4 {
      "tpu.region"() ({
        %run_scoped3A = tpu.sem_alloc : memref<!tpu.dma_semaphore, #tpu.memory_space<semaphore_mem>>
        %dma_start3A_82 = arith.constant 0 : i32
        %dma_start3A_83 = tpu.memref_slice %arg16[%mul3A_2, %dma_start3A_82] : memref<10016x128xf32, #tpu.memory_space<vmem_shared>> -> memref<632x128xf32, #tpu.memory_space<vmem_shared>>
        tpu.enqueue_dma source(%arg6 : memref<632x128xf32, #tpu.memory_space<hbm>>) target(%dma_start3A_83 : memref<632x128xf32, #tpu.memory_space<vmem_shared>>) target_semaphore(%run_scoped3A : memref<!tpu.dma_semaphore, #tpu.memory_space<semaphore_mem>>)
        %dma_wait3A_84 = arith.constant 0 : i32
        %dma_wait3A_85 = tpu.memref_slice %arg16[%mul3A_2, %dma_wait3A_84] : memref<10016x128xf32, #tpu.memory_space<vmem_shared>> -> memref<632x128xf32, #tpu.memory_space<vmem_shared>>
        tpu.wait_dma2 semaphore(%run_scoped3A : memref<!tpu.dma_semaphore, #tpu.memory_space<semaphore_mem>>) src(%arg6 : memref<632x128xf32, #tpu.memory_space<hbm>>) dst(%dma_wait3A_85 : memref<632x128xf32, #tpu.memory_space<vmem_shared>>)
        tpu.yield
      }) : () -> ()
    } else {
    }
    %eq3A = arith.constant 15 : i32
    %eq3A_5 = arith.cmpi eq, %arg1, %eq3A : i32
    %convert_element_type3A_6 = arith.extui %eq3A_5 : i1 to i32
    %cond3A_7 = arith.constant 0 : i32
    %cond3A_8 = arith.cmpi ne, %convert_element_type3A_6, %cond3A_7 : i32
    scf.if %cond3A_8 {
      "tpu.region"() ({
        %run_scoped3A = tpu.sem_alloc : memref<!tpu.dma_semaphore, #tpu.memory_space<semaphore_mem>>
        %dma_start3A_82 = arith.constant 0 : i32
        %dma_start3A_83 = tpu.memref_slice %arg16[%mul3A_2, %dma_start3A_82] : memref<10016x128xf32, #tpu.memory_space<vmem_shared>> -> memref<536x128xf32, #tpu.memory_space<vmem_shared>>
        %dma_start3A_84 = arith.constant 0 : i32
        %dma_start3A_85 = arith.constant 0 : i32
        %dma_start3A_86 = tpu.memref_slice %arg6[%dma_start3A_84, %dma_start3A_85] : memref<632x128xf32, #tpu.memory_space<hbm>> -> memref<536x128xf32, #tpu.memory_space<hbm>>
        tpu.enqueue_dma source(%dma_start3A_86 : memref<536x128xf32, #tpu.memory_space<hbm>>) target(%dma_start3A_83 : memref<536x128xf32, #tpu.memory_space<vmem_shared>>) target_semaphore(%run_scoped3A : memref<!tpu.dma_semaphore, #tpu.memory_space<semaphore_mem>>)
        %dma_wait3A_87 = arith.constant 0 : i32
        %dma_wait3A_88 = tpu.memref_slice %arg16[%mul3A_2, %dma_wait3A_87] : memref<10016x128xf32, #tpu.memory_space<vmem_shared>> -> memref<536x128xf32, #tpu.memory_space<vmem_shared>>
        %dma_wait3A_89 = arith.constant 0 : i32
        %dma_wait3A_90 = arith.constant 0 : i32
        %dma_wait3A_91 = tpu.memref_slice %arg6[%dma_wait3A_89, %dma_wait3A_90] : memref<632x128xf32, #tpu.memory_space<hbm>> -> memref<536x128xf32, #tpu.memory_space<hbm>>
        tpu.wait_dma2 semaphore(%run_scoped3A : memref<!tpu.dma_semaphore, #tpu.memory_space<semaphore_mem>>) src(%dma_wait3A_91 : memref<536x128xf32, #tpu.memory_space<hbm>>) dst(%dma_wait3A_88 : memref<536x128xf32, #tpu.memory_space<vmem_shared>>)
        tpu.yield
      }) : () -> ()
    } else {
    }
    %barrier3A = arith.constant 0 : index
    tpu.barrier barrier_id(%barrier3A)
    %mul3A_9 = arith.constant 80 : i32
    %mul3A_10 = arith.muli %add3A, %mul3A_9 : i32
    %add3A_11 = arith.constant 0 : i32
    %add3A_12 = arith.addi %mul3A_10, %add3A_11 : i32
    %lt3A_13 = arith.constant 2400 : i32
    %lt3A_14 = arith.cmpi slt, %add3A_12, %lt3A_13 : i32
    %convert_element_type3A_15 = arith.extui %lt3A_14 : i1 to i32
    %cond3A_16 = arith.constant 0 : i32
    %cond3A_17 = arith.cmpi ne, %convert_element_type3A_15, %cond3A_16 : i32
    scf.if %cond3A_17 {
      %run_scoped3A = arith.constant 0 : i32
      "tpu.region"() ({
        %run_scoped3A_83 = tpu.sem_alloc : memref<!tpu.dma_semaphore, #tpu.memory_space<semaphore_mem>>
        %dma_start3A_84 = arith.constant 0 : i32
        %dma_start3A_85 = tpu.memref_slice %arg3[%run_scoped3A, %add3A_12, %dma_start3A_84] : memref<2x2500x128xi32, #tpu.memory_space<hbm>> -> memref<1x40x128xi32, #tpu.memory_space<hbm>>
        %dma_start3A_86 = tpu.memref_squeeze %dma_start3A_85 : memref<1x40x128xi32, #tpu.memory_space<hbm>> -> memref<40x128xi32, #tpu.memory_space<hbm>>
        %dma_start3A_87 = arith.constant 0 : i32
        %dma_start3A_88 = tpu.memref_slice %arg3[%run_scoped3A, %add3A_12, %dma_start3A_87] : memref<2x2500x128xi32, #tpu.memory_space<hbm>> -> memref<1x40x128xi32, #tpu.memory_space<hbm>>
        %dma_start3A_89 = tpu.memref_squeeze %dma_start3A_88 : memref<1x40x128xi32, #tpu.memory_space<hbm>> -> memref<40x128xi32, #tpu.memory_space<hbm>>
        tpu.enqueue_dma source(%dma_start3A_89 : memref<40x128xi32, #tpu.memory_space<hbm>>) target(%arg8 : memref<40x128xi32, #tpu.memory_space<vmem>>) target_semaphore(%run_scoped3A_83 : memref<!tpu.dma_semaphore, #tpu.memory_space<semaphore_mem>>)
        %dma_wait3A_90 = arith.constant 0 : i32
        %dma_wait3A_91 = tpu.memref_slice %arg3[%run_scoped3A, %add3A_12, %dma_wait3A_90] : memref<2x2500x128xi32, #tpu.memory_space<hbm>> -> memref<1x40x128xi32, #tpu.memory_space<hbm>>
        %dma_wait3A_92 = tpu.memref_squeeze %dma_wait3A_91 : memref<1x40x128xi32, #tpu.memory_space<hbm>> -> memref<40x128xi32, #tpu.memory_space<hbm>>
        %dma_wait3A_93 = arith.constant 0 : i32
        %dma_wait3A_94 = tpu.memref_slice %arg3[%run_scoped3A, %add3A_12, %dma_wait3A_93] : memref<2x2500x128xi32, #tpu.memory_space<hbm>> -> memref<1x40x128xi32, #tpu.memory_space<hbm>>
        %dma_wait3A_95 = tpu.memref_squeeze %dma_wait3A_94 : memref<1x40x128xi32, #tpu.memory_space<hbm>> -> memref<40x128xi32, #tpu.memory_space<hbm>>
        tpu.wait_dma2 semaphore(%run_scoped3A_83 : memref<!tpu.dma_semaphore, #tpu.memory_space<semaphore_mem>>) src(%dma_wait3A_95 : memref<40x128xi32, #tpu.memory_space<hbm>>) dst(%arg8 : memref<40x128xi32, #tpu.memory_space<vmem>>)
        tpu.yield
      }) : () -> ()
      %run_scoped3A_82 = arith.constant 1 : i32
      "tpu.region"() ({
        %run_scoped3A_83 = tpu.sem_alloc : memref<!tpu.dma_semaphore, #tpu.memory_space<semaphore_mem>>
        %dma_start3A_84 = arith.constant 0 : i32
        %dma_start3A_85 = tpu.memref_slice %arg3[%run_scoped3A_82, %add3A_12, %dma_start3A_84] : memref<2x2500x128xi32, #tpu.memory_space<hbm>> -> memref<1x40x128xi32, #tpu.memory_space<hbm>>
        %dma_start3A_86 = tpu.memref_squeeze %dma_start3A_85 : memref<1x40x128xi32, #tpu.memory_space<hbm>> -> memref<40x128xi32, #tpu.memory_space<hbm>>
        %dma_start3A_87 = arith.constant 0 : i32
        %dma_start3A_88 = tpu.memref_slice %arg3[%run_scoped3A_82, %add3A_12, %dma_start3A_87] : memref<2x2500x128xi32, #tpu.memory_space<hbm>> -> memref<1x40x128xi32, #tpu.memory_space<hbm>>
        %dma_start3A_89 = tpu.memref_squeeze %dma_start3A_88 : memref<1x40x128xi32, #tpu.memory_space<hbm>> -> memref<40x128xi32, #tpu.memory_space<hbm>>
        tpu.enqueue_dma source(%dma_start3A_89 : memref<40x128xi32, #tpu.memory_space<hbm>>) target(%arg9 : memref<40x128xi32, #tpu.memory_space<vmem>>) target_semaphore(%run_scoped3A_83 : memref<!tpu.dma_semaphore, #tpu.memory_space<semaphore_mem>>)
        %dma_wait3A_90 = arith.constant 0 : i32
        %dma_wait3A_91 = tpu.memref_slice %arg3[%run_scoped3A_82, %add3A_12, %dma_wait3A_90] : memref<2x2500x128xi32, #tpu.memory_space<hbm>> -> memref<1x40x128xi32, #tpu.memory_space<hbm>>
        %dma_wait3A_92 = tpu.memref_squeeze %dma_wait3A_91 : memref<1x40x128xi32, #tpu.memory_space<hbm>> -> memref<40x128xi32, #tpu.memory_space<hbm>>
        %dma_wait3A_93 = arith.constant 0 : i32
        %dma_wait3A_94 = tpu.memref_slice %arg3[%run_scoped3A_82, %add3A_12, %dma_wait3A_93] : memref<2x2500x128xi32, #tpu.memory_space<hbm>> -> memref<1x40x128xi32, #tpu.memory_space<hbm>>
        %dma_wait3A_95 = tpu.memref_squeeze %dma_wait3A_94 : memref<1x40x128xi32, #tpu.memory_space<hbm>> -> memref<40x128xi32, #tpu.memory_space<hbm>>
        tpu.wait_dma2 semaphore(%run_scoped3A_83 : memref<!tpu.dma_semaphore, #tpu.memory_space<semaphore_mem>>) src(%dma_wait3A_95 : memref<40x128xi32, #tpu.memory_space<hbm>>) dst(%arg9 : memref<40x128xi32, #tpu.memory_space<vmem>>)
        tpu.yield
      }) : () -> ()
    } else {
    }
    %ge3A = arith.constant 2400 : i32
    %ge3A_18 = arith.cmpi sge, %add3A_12, %ge3A : i32
    %convert_element_type3A_19 = arith.extui %ge3A_18 : i1 to i32
    %cond3A_20 = arith.constant 0 : i32
    %cond3A_21 = arith.cmpi ne, %convert_element_type3A_19, %cond3A_20 : i32
    scf.if %cond3A_21 {
      %sub3A = arith.constant 2400 : i32
      %sub3A_82 = arith.subi %add3A_12, %sub3A : i32
      "tpu.region"() ({
        %run_scoped3A = tpu.sem_alloc : memref<!tpu.dma_semaphore, #tpu.memory_space<semaphore_mem>>
        %dma_start3A_85 = arith.constant 0 : i32
        %dma_start3A_86 = tpu.memref_slice %arg4[%sub3A_82, %dma_start3A_85] : memref<160x128xi32, #tpu.memory_space<hbm>> -> memref<40x128xi32, #tpu.memory_space<hbm>>
        %dma_start3A_87 = arith.constant 0 : i32
        %dma_start3A_88 = tpu.memref_slice %arg4[%sub3A_82, %dma_start3A_87] : memref<160x128xi32, #tpu.memory_space<hbm>> -> memref<40x128xi32, #tpu.memory_space<hbm>>
        tpu.enqueue_dma source(%dma_start3A_88 : memref<40x128xi32, #tpu.memory_space<hbm>>) target(%arg8 : memref<40x128xi32, #tpu.memory_space<vmem>>) target_semaphore(%run_scoped3A : memref<!tpu.dma_semaphore, #tpu.memory_space<semaphore_mem>>)
        %dma_wait3A_89 = arith.constant 0 : i32
        %dma_wait3A_90 = tpu.memref_slice %arg4[%sub3A_82, %dma_wait3A_89] : memref<160x128xi32, #tpu.memory_space<hbm>> -> memref<40x128xi32, #tpu.memory_space<hbm>>
        %dma_wait3A_91 = arith.constant 0 : i32
        %dma_wait3A_92 = tpu.memref_slice %arg4[%sub3A_82, %dma_wait3A_91] : memref<160x128xi32, #tpu.memory_space<hbm>> -> memref<40x128xi32, #tpu.memory_space<hbm>>
        tpu.wait_dma2 semaphore(%run_scoped3A : memref<!tpu.dma_semaphore, #tpu.memory_space<semaphore_mem>>) src(%dma_wait3A_92 : memref<40x128xi32, #tpu.memory_space<hbm>>) dst(%arg8 : memref<40x128xi32, #tpu.memory_space<vmem>>)
        tpu.yield
      }) : () -> ()
      %sub3A_83 = arith.constant 2400 : i32
      %sub3A_84 = arith.subi %add3A_12, %sub3A_83 : i32
      "tpu.region"() ({
        %run_scoped3A = tpu.sem_alloc : memref<!tpu.dma_semaphore, #tpu.memory_space<semaphore_mem>>
        %dma_start3A_85 = arith.constant 0 : i32
        %dma_start3A_86 = tpu.memref_slice %arg5[%sub3A_84, %dma_start3A_85] : memref<160x128xi32, #tpu.memory_space<hbm>> -> memref<40x128xi32, #tpu.memory_space<hbm>>
        %dma_start3A_87 = arith.constant 0 : i32
        %dma_start3A_88 = tpu.memref_slice %arg5[%sub3A_84, %dma_start3A_87] : memref<160x128xi32, #tpu.memory_space<hbm>> -> memref<40x128xi32, #tpu.memory_space<hbm>>
        tpu.enqueue_dma source(%dma_start3A_88 : memref<40x128xi32, #tpu.memory_space<hbm>>) target(%arg9 : memref<40x128xi32, #tpu.memory_space<vmem>>) target_semaphore(%run_scoped3A : memref<!tpu.dma_semaphore, #tpu.memory_space<semaphore_mem>>)
        %dma_wait3A_89 = arith.constant 0 : i32
        %dma_wait3A_90 = tpu.memref_slice %arg5[%sub3A_84, %dma_wait3A_89] : memref<160x128xi32, #tpu.memory_space<hbm>> -> memref<40x128xi32, #tpu.memory_space<hbm>>
        %dma_wait3A_91 = arith.constant 0 : i32
        %dma_wait3A_92 = tpu.memref_slice %arg5[%sub3A_84, %dma_wait3A_91] : memref<160x128xi32, #tpu.memory_space<hbm>> -> memref<40x128xi32, #tpu.memory_space<hbm>>
        tpu.wait_dma2 semaphore(%run_scoped3A : memref<!tpu.dma_semaphore, #tpu.memory_space<semaphore_mem>>) src(%dma_wait3A_92 : memref<40x128xi32, #tpu.memory_space<hbm>>) dst(%arg9 : memref<40x128xi32, #tpu.memory_space<vmem>>)
        tpu.yield
      }) : () -> ()
    } else {
    }
    %dma_start3A = arith.constant 0 : i32
    %dma_start3A_22 = arith.constant 0 : i32
    %dma_start3A_23 = tpu.memref_slice %arg8[%dma_start3A, %dma_start3A_22] : memref<40x128xi32, #tpu.memory_space<vmem>> -> memref<1x128xi32, #tpu.memory_space<vmem>>
    %dma_start3A_24 = tpu.memref_squeeze %dma_start3A_23 : memref<1x128xi32, #tpu.memory_space<vmem>> -> memref<128xi32, #tpu.memory_space<vmem>>
    %dma_start3A_25 = arith.constant 0 : i32
    %dma_start3A_26 = arith.constant 0 : i32
    %dma_start3A_27 = tpu.memref_slice %arg2[%dma_start3A_25, %dma_start3A_26] : memref<10000x128xf32, #tpu.memory_space<hbm>> -> memref<10000x128xf32, #tpu.memory_space<hbm>>
    tpu.enqueue_indirect_dma source(%dma_start3A_27 : memref<10000x128xf32, #tpu.memory_space<hbm>>) target(%arg10 : memref<128x128xf32, #tpu.memory_space<vmem>>) offsets(%dma_start3A_24 : memref<128xi32, #tpu.memory_space<vmem>>) semaphore(%arg12 : memref<!tpu.dma_semaphore, #tpu.memory_space<semaphore_mem>>)
    %scan3A = arith.constant 0 : i32
    %scan3A_28 = arith.constant 20 : i32
    %scan3A_29 = arith.addi %scan3A, %scan3A_28 : i32
    %scan3A_30 = arith.constant 1 : i32
    scf.for %scan3A_82 = %scan3A to %scan3A_29 step %scan3A_30  : i32 {
      %mul3A_83 = arith.constant 2 : i32
      %mul3A_84 = arith.muli %scan3A_82, %mul3A_83 : i32
      %add3A_85 = arith.constant 0 : i32
      %add3A_86 = arith.addi %add3A_85, %mul3A_84 : i32
      %gt3A = arith.constant 0 : i32
      %gt3A_87 = arith.cmpi sgt, %add3A_86, %gt3A : i32
      %convert_element_type3A_88 = arith.extui %gt3A_87 : i1 to i32
      %cond3A_89 = arith.constant 0 : i32
      %cond3A_90 = arith.cmpi ne, %convert_element_type3A_88, %cond3A_89 : i32
      scf.if %cond3A_90 {
        %sub3A = arith.constant 1 : i32
        %sub3A_140 = arith.subi %add3A_86, %sub3A : i32
        %dma_wait3A_141 = arith.constant 0 : i32
        %dma_wait3A_142 = tpu.memref_slice %arg9[%sub3A_140, %dma_wait3A_141] : memref<40x128xi32, #tpu.memory_space<vmem>> -> memref<1x128xi32, #tpu.memory_space<vmem>>
        %dma_wait3A_143 = tpu.memref_squeeze %dma_wait3A_142 : memref<1x128xi32, #tpu.memory_space<vmem>> -> memref<128xi32, #tpu.memory_space<vmem>>
        %dma_wait3A_144 = arith.constant 0 : i32
        %dma_wait3A_145 = arith.constant 0 : i32
        %dma_wait3A_146 = tpu.memref_slice %arg16[%dma_wait3A_144, %dma_wait3A_145] : memref<10016x128xf32, #tpu.memory_space<vmem_shared>> -> memref<10016x128xf32, #tpu.memory_space<vmem_shared>>
        tpu.wait_indirect_dma semaphore(%arg15 : memref<!tpu.dma_semaphore, #tpu.memory_space<semaphore_mem>>) src(%arg11 : memref<128x128xf32, #tpu.memory_space<vmem>>) dst(%dma_wait3A_146 : memref<10016x128xf32, #tpu.memory_space<vmem_shared>>)
      } else {
      }
      %add3A_91 = arith.constant 1 : i32
      %add3A_92 = arith.addi %add3A_86, %add3A_91 : i32
      %dma_start3A_93 = arith.constant 0 : i32
      %dma_start3A_94 = tpu.memref_slice %arg8[%add3A_92, %dma_start3A_93] : memref<40x128xi32, #tpu.memory_space<vmem>> -> memref<1x128xi32, #tpu.memory_space<vmem>>
      %dma_start3A_95 = tpu.memref_squeeze %dma_start3A_94 : memref<1x128xi32, #tpu.memory_space<vmem>> -> memref<128xi32, #tpu.memory_space<vmem>>
      %dma_start3A_96 = arith.constant 0 : i32
      %dma_start3A_97 = arith.constant 0 : i32
      %dma_start3A_98 = tpu.memref_slice %arg2[%dma_start3A_96, %dma_start3A_97] : memref<10000x128xf32, #tpu.memory_space<hbm>> -> memref<10000x128xf32, #tpu.memory_space<hbm>>
      tpu.enqueue_indirect_dma source(%dma_start3A_98 : memref<10000x128xf32, #tpu.memory_space<hbm>>) target(%arg11 : memref<128x128xf32, #tpu.memory_space<vmem>>) offsets(%dma_start3A_95 : memref<128xi32, #tpu.memory_space<vmem>>) semaphore(%arg13 : memref<!tpu.dma_semaphore, #tpu.memory_space<semaphore_mem>>)
      %dma_wait3A_99 = arith.constant 0 : i32
      %dma_wait3A_100 = tpu.memref_slice %arg8[%add3A_86, %dma_wait3A_99] : memref<40x128xi32, #tpu.memory_space<vmem>> -> memref<1x128xi32, #tpu.memory_space<vmem>>
      %dma_wait3A_101 = tpu.memref_squeeze %dma_wait3A_100 : memref<1x128xi32, #tpu.memory_space<vmem>> -> memref<128xi32, #tpu.memory_space<vmem>>
      %dma_wait3A_102 = arith.constant 0 : i32
      %dma_wait3A_103 = arith.constant 0 : i32
      %dma_wait3A_104 = tpu.memref_slice %arg2[%dma_wait3A_102, %dma_wait3A_103] : memref<10000x128xf32, #tpu.memory_space<hbm>> -> memref<10000x128xf32, #tpu.memory_space<hbm>>
      tpu.wait_indirect_dma semaphore(%arg12 : memref<!tpu.dma_semaphore, #tpu.memory_space<semaphore_mem>>) src(%dma_wait3A_104 : memref<10000x128xf32, #tpu.memory_space<hbm>>) dst(%arg10 : memref<128x128xf32, #tpu.memory_space<vmem>>)
      %dma_start3A_105 = arith.constant 0 : i32
      %dma_start3A_106 = tpu.memref_slice %arg9[%add3A_86, %dma_start3A_105] : memref<40x128xi32, #tpu.memory_space<vmem>> -> memref<1x128xi32, #tpu.memory_space<vmem>>
      %dma_start3A_107 = tpu.memref_squeeze %dma_start3A_106 : memref<1x128xi32, #tpu.memory_space<vmem>> -> memref<128xi32, #tpu.memory_space<vmem>>
      %dma_start3A_108 = arith.constant 0 : i32
      %dma_start3A_109 = arith.constant 0 : i32
      %dma_start3A_110 = tpu.memref_slice %arg16[%dma_start3A_108, %dma_start3A_109] : memref<10016x128xf32, #tpu.memory_space<vmem_shared>> -> memref<10016x128xf32, #tpu.memory_space<vmem_shared>>
      tpu.enqueue_indirect_dma source(%arg10 : memref<128x128xf32, #tpu.memory_space<vmem>>) target(%dma_start3A_110 : memref<10016x128xf32, #tpu.memory_space<vmem_shared>>) offsets(%dma_start3A_107 : memref<128xi32, #tpu.memory_space<vmem>>) semaphore(%arg14 : memref<!tpu.dma_semaphore, #tpu.memory_space<semaphore_mem>>) {add = true}
      %dma_wait3A_111 = arith.constant 0 : i32
      %dma_wait3A_112 = tpu.memref_slice %arg9[%add3A_86, %dma_wait3A_111] : memref<40x128xi32, #tpu.memory_space<vmem>> -> memref<1x128xi32, #tpu.memory_space<vmem>>
      %dma_wait3A_113 = tpu.memref_squeeze %dma_wait3A_112 : memref<1x128xi32, #tpu.memory_space<vmem>> -> memref<128xi32, #tpu.memory_space<vmem>>
      %dma_wait3A_114 = arith.constant 0 : i32
      %dma_wait3A_115 = arith.constant 0 : i32
      %dma_wait3A_116 = tpu.memref_slice %arg16[%dma_wait3A_114, %dma_wait3A_115] : memref<10016x128xf32, #tpu.memory_space<vmem_shared>> -> memref<10016x128xf32, #tpu.memory_space<vmem_shared>>
      tpu.wait_indirect_dma semaphore(%arg14 : memref<!tpu.dma_semaphore, #tpu.memory_space<semaphore_mem>>) src(%arg10 : memref<128x128xf32, #tpu.memory_space<vmem>>) dst(%dma_wait3A_116 : memref<10016x128xf32, #tpu.memory_space<vmem_shared>>)
      %add3A_117 = arith.constant 2 : i32
      %add3A_118 = arith.addi %add3A_86, %add3A_117 : i32
      %lt3A_119 = arith.constant 40 : i32
      %lt3A_120 = arith.cmpi slt, %add3A_118, %lt3A_119 : i32
      %convert_element_type3A_121 = arith.extui %lt3A_120 : i1 to i32
      %cond3A_122 = arith.constant 0 : i32
      %cond3A_123 = arith.cmpi ne, %convert_element_type3A_121, %cond3A_122 : i32
      scf.if %cond3A_123 {
        %add3A_140 = arith.constant 2 : i32
        %add3A_141 = arith.addi %add3A_86, %add3A_140 : i32
        %dma_start3A_142 = arith.constant 0 : i32
        %dma_start3A_143 = tpu.memref_slice %arg8[%add3A_141, %dma_start3A_142] : memref<40x128xi32, #tpu.memory_space<vmem>> -> memref<1x128xi32, #tpu.memory_space<vmem>>
        %dma_start3A_144 = tpu.memref_squeeze %dma_start3A_143 : memref<1x128xi32, #tpu.memory_space<vmem>> -> memref<128xi32, #tpu.memory_space<vmem>>
        %dma_start3A_145 = arith.constant 0 : i32
        %dma_start3A_146 = arith.constant 0 : i32
        %dma_start3A_147 = tpu.memref_slice %arg2[%dma_start3A_145, %dma_start3A_146] : memref<10000x128xf32, #tpu.memory_space<hbm>> -> memref<10000x128xf32, #tpu.memory_space<hbm>>
        tpu.enqueue_indirect_dma source(%dma_start3A_147 : memref<10000x128xf32, #tpu.memory_space<hbm>>) target(%arg10 : memref<128x128xf32, #tpu.memory_space<vmem>>) offsets(%dma_start3A_144 : memref<128xi32, #tpu.memory_space<vmem>>) semaphore(%arg12 : memref<!tpu.dma_semaphore, #tpu.memory_space<semaphore_mem>>)
      } else {
      }
      %add3A_124 = arith.constant 1 : i32
      %add3A_125 = arith.addi %add3A_86, %add3A_124 : i32
      %dma_wait3A_126 = arith.constant 0 : i32
      %dma_wait3A_127 = tpu.memref_slice %arg8[%add3A_125, %dma_wait3A_126] : memref<40x128xi32, #tpu.memory_space<vmem>> -> memref<1x128xi32, #tpu.memory_space<vmem>>
      %dma_wait3A_128 = tpu.memref_squeeze %dma_wait3A_127 : memref<1x128xi32, #tpu.memory_space<vmem>> -> memref<128xi32, #tpu.memory_space<vmem>>
      %dma_wait3A_129 = arith.constant 0 : i32
      %dma_wait3A_130 = arith.constant 0 : i32
      %dma_wait3A_131 = tpu.memref_slice %arg2[%dma_wait3A_129, %dma_wait3A_130] : memref<10000x128xf32, #tpu.memory_space<hbm>> -> memref<10000x128xf32, #tpu.memory_space<hbm>>
      tpu.wait_indirect_dma semaphore(%arg13 : memref<!tpu.dma_semaphore, #tpu.memory_space<semaphore_mem>>) src(%dma_wait3A_131 : memref<10000x128xf32, #tpu.memory_space<hbm>>) dst(%arg11 : memref<128x128xf32, #tpu.memory_space<vmem>>)
      %add3A_132 = arith.constant 1 : i32
      %add3A_133 = arith.addi %add3A_86, %add3A_132 : i32
      %dma_start3A_134 = arith.constant 0 : i32
      %dma_start3A_135 = tpu.memref_slice %arg9[%add3A_133, %dma_start3A_134] : memref<40x128xi32, #tpu.memory_space<vmem>> -> memref<1x128xi32, #tpu.memory_space<vmem>>
      %dma_start3A_136 = tpu.memref_squeeze %dma_start3A_135 : memref<1x128xi32, #tpu.memory_space<vmem>> -> memref<128xi32, #tpu.memory_space<vmem>>
      %dma_start3A_137 = arith.constant 0 : i32
      %dma_start3A_138 = arith.constant 0 : i32
      %dma_start3A_139 = tpu.memref_slice %arg16[%dma_start3A_137, %dma_start3A_138] : memref<10016x128xf32, #tpu.memory_space<vmem_shared>> -> memref<10016x128xf32, #tpu.memory_space<vmem_shared>>
      tpu.enqueue_indirect_dma source(%arg11 : memref<128x128xf32, #tpu.memory_space<vmem>>) target(%dma_start3A_139 : memref<10016x128xf32, #tpu.memory_space<vmem_shared>>) offsets(%dma_start3A_136 : memref<128xi32, #tpu.memory_space<vmem>>) semaphore(%arg15 : memref<!tpu.dma_semaphore, #tpu.memory_space<semaphore_mem>>) {add = true}
    }
    %scan3A_31 = arith.constant 20 : i32
    %dma_wait3A = arith.constant 39 : i32
    %dma_wait3A_32 = arith.constant 0 : i32
    %dma_wait3A_33 = tpu.memref_slice %arg9[%dma_wait3A, %dma_wait3A_32] : memref<40x128xi32, #tpu.memory_space<vmem>> -> memref<1x128xi32, #tpu.memory_space<vmem>>
    %dma_wait3A_34 = tpu.memref_squeeze %dma_wait3A_33 : memref<1x128xi32, #tpu.memory_space<vmem>> -> memref<128xi32, #tpu.memory_space<vmem>>
    %dma_wait3A_35 = arith.constant 0 : i32
    %dma_wait3A_36 = arith.constant 0 : i32
    %dma_wait3A_37 = tpu.memref_slice %arg16[%dma_wait3A_35, %dma_wait3A_36] : memref<10016x128xf32, #tpu.memory_space<vmem_shared>> -> memref<10016x128xf32, #tpu.memory_space<vmem_shared>>
    tpu.wait_indirect_dma semaphore(%arg15 : memref<!tpu.dma_semaphore, #tpu.memory_space<semaphore_mem>>) src(%arg11 : memref<128x128xf32, #tpu.memory_space<vmem>>) dst(%dma_wait3A_37 : memref<10016x128xf32, #tpu.memory_space<vmem_shared>>)
    %mul3A_38 = arith.constant 80 : i32
    %mul3A_39 = arith.muli %add3A, %mul3A_38 : i32
    %add3A_40 = arith.constant 40 : i32
    %add3A_41 = arith.addi %mul3A_39, %add3A_40 : i32
    %lt3A_42 = arith.constant 2400 : i32
    %lt3A_43 = arith.cmpi slt, %add3A_41, %lt3A_42 : i32
    %convert_element_type3A_44 = arith.extui %lt3A_43 : i1 to i32
    %cond3A_45 = arith.constant 0 : i32
    %cond3A_46 = arith.cmpi ne, %convert_element_type3A_44, %cond3A_45 : i32
    scf.if %cond3A_46 {
      %run_scoped3A = arith.constant 0 : i32
      "tpu.region"() ({
        %run_scoped3A_83 = tpu.sem_alloc : memref<!tpu.dma_semaphore, #tpu.memory_space<semaphore_mem>>
        %dma_start3A_84 = arith.constant 0 : i32
        %dma_start3A_85 = tpu.memref_slice %arg3[%run_scoped3A, %add3A_41, %dma_start3A_84] : memref<2x2500x128xi32, #tpu.memory_space<hbm>> -> memref<1x40x128xi32, #tpu.memory_space<hbm>>
        %dma_start3A_86 = tpu.memref_squeeze %dma_start3A_85 : memref<1x40x128xi32, #tpu.memory_space<hbm>> -> memref<40x128xi32, #tpu.memory_space<hbm>>
        %dma_start3A_87 = arith.constant 0 : i32
        %dma_start3A_88 = tpu.memref_slice %arg3[%run_scoped3A, %add3A_41, %dma_start3A_87] : memref<2x2500x128xi32, #tpu.memory_space<hbm>> -> memref<1x40x128xi32, #tpu.memory_space<hbm>>
        %dma_start3A_89 = tpu.memref_squeeze %dma_start3A_88 : memref<1x40x128xi32, #tpu.memory_space<hbm>> -> memref<40x128xi32, #tpu.memory_space<hbm>>
        tpu.enqueue_dma source(%dma_start3A_89 : memref<40x128xi32, #tpu.memory_space<hbm>>) target(%arg8 : memref<40x128xi32, #tpu.memory_space<vmem>>) target_semaphore(%run_scoped3A_83 : memref<!tpu.dma_semaphore, #tpu.memory_space<semaphore_mem>>)
        %dma_wait3A_90 = arith.constant 0 : i32
        %dma_wait3A_91 = tpu.memref_slice %arg3[%run_scoped3A, %add3A_41, %dma_wait3A_90] : memref<2x2500x128xi32, #tpu.memory_space<hbm>> -> memref<1x40x128xi32, #tpu.memory_space<hbm>>
        %dma_wait3A_92 = tpu.memref_squeeze %dma_wait3A_91 : memref<1x40x128xi32, #tpu.memory_space<hbm>> -> memref<40x128xi32, #tpu.memory_space<hbm>>
        %dma_wait3A_93 = arith.constant 0 : i32
        %dma_wait3A_94 = tpu.memref_slice %arg3[%run_scoped3A, %add3A_41, %dma_wait3A_93] : memref<2x2500x128xi32, #tpu.memory_space<hbm>> -> memref<1x40x128xi32, #tpu.memory_space<hbm>>
        %dma_wait3A_95 = tpu.memref_squeeze %dma_wait3A_94 : memref<1x40x128xi32, #tpu.memory_space<hbm>> -> memref<40x128xi32, #tpu.memory_space<hbm>>
        tpu.wait_dma2 semaphore(%run_scoped3A_83 : memref<!tpu.dma_semaphore, #tpu.memory_space<semaphore_mem>>) src(%dma_wait3A_95 : memref<40x128xi32, #tpu.memory_space<hbm>>) dst(%arg8 : memref<40x128xi32, #tpu.memory_space<vmem>>)
        tpu.yield
      }) : () -> ()
      %run_scoped3A_82 = arith.constant 1 : i32
      "tpu.region"() ({
        %run_scoped3A_83 = tpu.sem_alloc : memref<!tpu.dma_semaphore, #tpu.memory_space<semaphore_mem>>
        %dma_start3A_84 = arith.constant 0 : i32
        %dma_start3A_85 = tpu.memref_slice %arg3[%run_scoped3A_82, %add3A_41, %dma_start3A_84] : memref<2x2500x128xi32, #tpu.memory_space<hbm>> -> memref<1x40x128xi32, #tpu.memory_space<hbm>>
        %dma_start3A_86 = tpu.memref_squeeze %dma_start3A_85 : memref<1x40x128xi32, #tpu.memory_space<hbm>> -> memref<40x128xi32, #tpu.memory_space<hbm>>
        %dma_start3A_87 = arith.constant 0 : i32
        %dma_start3A_88 = tpu.memref_slice %arg3[%run_scoped3A_82, %add3A_41, %dma_start3A_87] : memref<2x2500x128xi32, #tpu.memory_space<hbm>> -> memref<1x40x128xi32, #tpu.memory_space<hbm>>
        %dma_start3A_89 = tpu.memref_squeeze %dma_start3A_88 : memref<1x40x128xi32, #tpu.memory_space<hbm>> -> memref<40x128xi32, #tpu.memory_space<hbm>>
        tpu.enqueue_dma source(%dma_start3A_89 : memref<40x128xi32, #tpu.memory_space<hbm>>) target(%arg9 : memref<40x128xi32, #tpu.memory_space<vmem>>) target_semaphore(%run_scoped3A_83 : memref<!tpu.dma_semaphore, #tpu.memory_space<semaphore_mem>>)
        %dma_wait3A_90 = arith.constant 0 : i32
        %dma_wait3A_91 = tpu.memref_slice %arg3[%run_scoped3A_82, %add3A_41, %dma_wait3A_90] : memref<2x2500x128xi32, #tpu.memory_space<hbm>> -> memref<1x40x128xi32, #tpu.memory_space<hbm>>
        %dma_wait3A_92 = tpu.memref_squeeze %dma_wait3A_91 : memref<1x40x128xi32, #tpu.memory_space<hbm>> -> memref<40x128xi32, #tpu.memory_space<hbm>>
        %dma_wait3A_93 = arith.constant 0 : i32
        %dma_wait3A_94 = tpu.memref_slice %arg3[%run_scoped3A_82, %add3A_41, %dma_wait3A_93] : memref<2x2500x128xi32, #tpu.memory_space<hbm>> -> memref<1x40x128xi32, #tpu.memory_space<hbm>>
        %dma_wait3A_95 = tpu.memref_squeeze %dma_wait3A_94 : memref<1x40x128xi32, #tpu.memory_space<hbm>> -> memref<40x128xi32, #tpu.memory_space<hbm>>
        tpu.wait_dma2 semaphore(%run_scoped3A_83 : memref<!tpu.dma_semaphore, #tpu.memory_space<semaphore_mem>>) src(%dma_wait3A_95 : memref<40x128xi32, #tpu.memory_space<hbm>>) dst(%arg9 : memref<40x128xi32, #tpu.memory_space<vmem>>)
        tpu.yield
      }) : () -> ()
    } else {
    }
    %ge3A_47 = arith.constant 2400 : i32
    %ge3A_48 = arith.cmpi sge, %add3A_41, %ge3A_47 : i32
    %convert_element_type3A_49 = arith.extui %ge3A_48 : i1 to i32
    %cond3A_50 = arith.constant 0 : i32
    %cond3A_51 = arith.cmpi ne, %convert_element_type3A_49, %cond3A_50 : i32
    scf.if %cond3A_51 {
      %sub3A = arith.constant 2400 : i32
      %sub3A_82 = arith.subi %add3A_41, %sub3A : i32
      "tpu.region"() ({
        %run_scoped3A = tpu.sem_alloc : memref<!tpu.dma_semaphore, #tpu.memory_space<semaphore_mem>>
        %dma_start3A_85 = arith.constant 0 : i32
        %dma_start3A_86 = tpu.memref_slice %arg4[%sub3A_82, %dma_start3A_85] : memref<160x128xi32, #tpu.memory_space<hbm>> -> memref<40x128xi32, #tpu.memory_space<hbm>>
        %dma_start3A_87 = arith.constant 0 : i32
        %dma_start3A_88 = tpu.memref_slice %arg4[%sub3A_82, %dma_start3A_87] : memref<160x128xi32, #tpu.memory_space<hbm>> -> memref<40x128xi32, #tpu.memory_space<hbm>>
        tpu.enqueue_dma source(%dma_start3A_88 : memref<40x128xi32, #tpu.memory_space<hbm>>) target(%arg8 : memref<40x128xi32, #tpu.memory_space<vmem>>) target_semaphore(%run_scoped3A : memref<!tpu.dma_semaphore, #tpu.memory_space<semaphore_mem>>)
        %dma_wait3A_89 = arith.constant 0 : i32
        %dma_wait3A_90 = tpu.memref_slice %arg4[%sub3A_82, %dma_wait3A_89] : memref<160x128xi32, #tpu.memory_space<hbm>> -> memref<40x128xi32, #tpu.memory_space<hbm>>
        %dma_wait3A_91 = arith.constant 0 : i32
        %dma_wait3A_92 = tpu.memref_slice %arg4[%sub3A_82, %dma_wait3A_91] : memref<160x128xi32, #tpu.memory_space<hbm>> -> memref<40x128xi32, #tpu.memory_space<hbm>>
        tpu.wait_dma2 semaphore(%run_scoped3A : memref<!tpu.dma_semaphore, #tpu.memory_space<semaphore_mem>>) src(%dma_wait3A_92 : memref<40x128xi32, #tpu.memory_space<hbm>>) dst(%arg8 : memref<40x128xi32, #tpu.memory_space<vmem>>)
        tpu.yield
      }) : () -> ()
      %sub3A_83 = arith.constant 2400 : i32
      %sub3A_84 = arith.subi %add3A_41, %sub3A_83 : i32
      "tpu.region"() ({
        %run_scoped3A = tpu.sem_alloc : memref<!tpu.dma_semaphore, #tpu.memory_space<semaphore_mem>>
        %dma_start3A_85 = arith.constant 0 : i32
        %dma_start3A_86 = tpu.memref_slice %arg5[%sub3A_84, %dma_start3A_85] : memref<160x128xi32, #tpu.memory_space<hbm>> -> memref<40x128xi32, #tpu.memory_space<hbm>>
        %dma_start3A_87 = arith.constant 0 : i32
        %dma_start3A_88 = tpu.memref_slice %arg5[%sub3A_84, %dma_start3A_87] : memref<160x128xi32, #tpu.memory_space<hbm>> -> memref<40x128xi32, #tpu.memory_space<hbm>>
        tpu.enqueue_dma source(%dma_start3A_88 : memref<40x128xi32, #tpu.memory_space<hbm>>) target(%arg9 : memref<40x128xi32, #tpu.memory_space<vmem>>) target_semaphore(%run_scoped3A : memref<!tpu.dma_semaphore, #tpu.memory_space<semaphore_mem>>)
        %dma_wait3A_89 = arith.constant 0 : i32
        %dma_wait3A_90 = tpu.memref_slice %arg5[%sub3A_84, %dma_wait3A_89] : memref<160x128xi32, #tpu.memory_space<hbm>> -> memref<40x128xi32, #tpu.memory_space<hbm>>
        %dma_wait3A_91 = arith.constant 0 : i32
        %dma_wait3A_92 = tpu.memref_slice %arg5[%sub3A_84, %dma_wait3A_91] : memref<160x128xi32, #tpu.memory_space<hbm>> -> memref<40x128xi32, #tpu.memory_space<hbm>>
        tpu.wait_dma2 semaphore(%run_scoped3A : memref<!tpu.dma_semaphore, #tpu.memory_space<semaphore_mem>>) src(%dma_wait3A_92 : memref<40x128xi32, #tpu.memory_space<hbm>>) dst(%arg9 : memref<40x128xi32, #tpu.memory_space<vmem>>)
        tpu.yield
      }) : () -> ()
    } else {
    }
    %dma_start3A_52 = arith.constant 0 : i32
    %dma_start3A_53 = arith.constant 0 : i32
    %dma_start3A_54 = tpu.memref_slice %arg8[%dma_start3A_52, %dma_start3A_53] : memref<40x128xi32, #tpu.memory_space<vmem>> -> memref<1x128xi32, #tpu.memory_space<vmem>>
    %dma_start3A_55 = tpu.memref_squeeze %dma_start3A_54 : memref<1x128xi32, #tpu.memory_space<vmem>> -> memref<128xi32, #tpu.memory_space<vmem>>
    %dma_start3A_56 = arith.constant 0 : i32
    %dma_start3A_57 = arith.constant 0 : i32
    %dma_start3A_58 = tpu.memref_slice %arg2[%dma_start3A_56, %dma_start3A_57] : memref<10000x128xf32, #tpu.memory_space<hbm>> -> memref<10000x128xf32, #tpu.memory_space<hbm>>
    tpu.enqueue_indirect_dma source(%dma_start3A_58 : memref<10000x128xf32, #tpu.memory_space<hbm>>) target(%arg10 : memref<128x128xf32, #tpu.memory_space<vmem>>) offsets(%dma_start3A_55 : memref<128xi32, #tpu.memory_space<vmem>>) semaphore(%arg12 : memref<!tpu.dma_semaphore, #tpu.memory_space<semaphore_mem>>)
    %scan3A_59 = arith.constant 0 : i32
    %scan3A_60 = arith.constant 20 : i32
    %scan3A_61 = arith.addi %scan3A_59, %scan3A_60 : i32
    %scan3A_62 = arith.constant 1 : i32
    scf.for %scan3A_82 = %scan3A_59 to %scan3A_61 step %scan3A_62  : i32 {
      %mul3A_83 = arith.constant 2 : i32
      %mul3A_84 = arith.muli %scan3A_82, %mul3A_83 : i32
      %add3A_85 = arith.constant 0 : i32
      %add3A_86 = arith.addi %add3A_85, %mul3A_84 : i32
      %gt3A = arith.constant 0 : i32
      %gt3A_87 = arith.cmpi sgt, %add3A_86, %gt3A : i32
      %convert_element_type3A_88 = arith.extui %gt3A_87 : i1 to i32
      %cond3A_89 = arith.constant 0 : i32
      %cond3A_90 = arith.cmpi ne, %convert_element_type3A_88, %cond3A_89 : i32
      scf.if %cond3A_90 {
        %sub3A = arith.constant 1 : i32
        %sub3A_140 = arith.subi %add3A_86, %sub3A : i32
        %dma_wait3A_141 = arith.constant 0 : i32
        %dma_wait3A_142 = tpu.memref_slice %arg9[%sub3A_140, %dma_wait3A_141] : memref<40x128xi32, #tpu.memory_space<vmem>> -> memref<1x128xi32, #tpu.memory_space<vmem>>
        %dma_wait3A_143 = tpu.memref_squeeze %dma_wait3A_142 : memref<1x128xi32, #tpu.memory_space<vmem>> -> memref<128xi32, #tpu.memory_space<vmem>>
        %dma_wait3A_144 = arith.constant 0 : i32
        %dma_wait3A_145 = arith.constant 0 : i32
        %dma_wait3A_146 = tpu.memref_slice %arg16[%dma_wait3A_144, %dma_wait3A_145] : memref<10016x128xf32, #tpu.memory_space<vmem_shared>> -> memref<10016x128xf32, #tpu.memory_space<vmem_shared>>
        tpu.wait_indirect_dma semaphore(%arg15 : memref<!tpu.dma_semaphore, #tpu.memory_space<semaphore_mem>>) src(%arg11 : memref<128x128xf32, #tpu.memory_space<vmem>>) dst(%dma_wait3A_146 : memref<10016x128xf32, #tpu.memory_space<vmem_shared>>)
      } else {
      }
      %add3A_91 = arith.constant 1 : i32
      %add3A_92 = arith.addi %add3A_86, %add3A_91 : i32
      %dma_start3A_93 = arith.constant 0 : i32
      %dma_start3A_94 = tpu.memref_slice %arg8[%add3A_92, %dma_start3A_93] : memref<40x128xi32, #tpu.memory_space<vmem>> -> memref<1x128xi32, #tpu.memory_space<vmem>>
      %dma_start3A_95 = tpu.memref_squeeze %dma_start3A_94 : memref<1x128xi32, #tpu.memory_space<vmem>> -> memref<128xi32, #tpu.memory_space<vmem>>
      %dma_start3A_96 = arith.constant 0 : i32
      %dma_start3A_97 = arith.constant 0 : i32
      %dma_start3A_98 = tpu.memref_slice %arg2[%dma_start3A_96, %dma_start3A_97] : memref<10000x128xf32, #tpu.memory_space<hbm>> -> memref<10000x128xf32, #tpu.memory_space<hbm>>
      tpu.enqueue_indirect_dma source(%dma_start3A_98 : memref<10000x128xf32, #tpu.memory_space<hbm>>) target(%arg11 : memref<128x128xf32, #tpu.memory_space<vmem>>) offsets(%dma_start3A_95 : memref<128xi32, #tpu.memory_space<vmem>>) semaphore(%arg13 : memref<!tpu.dma_semaphore, #tpu.memory_space<semaphore_mem>>)
      %dma_wait3A_99 = arith.constant 0 : i32
      %dma_wait3A_100 = tpu.memref_slice %arg8[%add3A_86, %dma_wait3A_99] : memref<40x128xi32, #tpu.memory_space<vmem>> -> memref<1x128xi32, #tpu.memory_space<vmem>>
      %dma_wait3A_101 = tpu.memref_squeeze %dma_wait3A_100 : memref<1x128xi32, #tpu.memory_space<vmem>> -> memref<128xi32, #tpu.memory_space<vmem>>
      %dma_wait3A_102 = arith.constant 0 : i32
      %dma_wait3A_103 = arith.constant 0 : i32
      %dma_wait3A_104 = tpu.memref_slice %arg2[%dma_wait3A_102, %dma_wait3A_103] : memref<10000x128xf32, #tpu.memory_space<hbm>> -> memref<10000x128xf32, #tpu.memory_space<hbm>>
      tpu.wait_indirect_dma semaphore(%arg12 : memref<!tpu.dma_semaphore, #tpu.memory_space<semaphore_mem>>) src(%dma_wait3A_104 : memref<10000x128xf32, #tpu.memory_space<hbm>>) dst(%arg10 : memref<128x128xf32, #tpu.memory_space<vmem>>)
      %dma_start3A_105 = arith.constant 0 : i32
      %dma_start3A_106 = tpu.memref_slice %arg9[%add3A_86, %dma_start3A_105] : memref<40x128xi32, #tpu.memory_space<vmem>> -> memref<1x128xi32, #tpu.memory_space<vmem>>
      %dma_start3A_107 = tpu.memref_squeeze %dma_start3A_106 : memref<1x128xi32, #tpu.memory_space<vmem>> -> memref<128xi32, #tpu.memory_space<vmem>>
      %dma_start3A_108 = arith.constant 0 : i32
      %dma_start3A_109 = arith.constant 0 : i32
      %dma_start3A_110 = tpu.memref_slice %arg16[%dma_start3A_108, %dma_start3A_109] : memref<10016x128xf32, #tpu.memory_space<vmem_shared>> -> memref<10016x128xf32, #tpu.memory_space<vmem_shared>>
      tpu.enqueue_indirect_dma source(%arg10 : memref<128x128xf32, #tpu.memory_space<vmem>>) target(%dma_start3A_110 : memref<10016x128xf32, #tpu.memory_space<vmem_shared>>) offsets(%dma_start3A_107 : memref<128xi32, #tpu.memory_space<vmem>>) semaphore(%arg14 : memref<!tpu.dma_semaphore, #tpu.memory_space<semaphore_mem>>) {add = true}
      %dma_wait3A_111 = arith.constant 0 : i32
      %dma_wait3A_112 = tpu.memref_slice %arg9[%add3A_86, %dma_wait3A_111] : memref<40x128xi32, #tpu.memory_space<vmem>> -> memref<1x128xi32, #tpu.memory_space<vmem>>
      %dma_wait3A_113 = tpu.memref_squeeze %dma_wait3A_112 : memref<1x128xi32, #tpu.memory_space<vmem>> -> memref<128xi32, #tpu.memory_space<vmem>>
      %dma_wait3A_114 = arith.constant 0 : i32
      %dma_wait3A_115 = arith.constant 0 : i32
      %dma_wait3A_116 = tpu.memref_slice %arg16[%dma_wait3A_114, %dma_wait3A_115] : memref<10016x128xf32, #tpu.memory_space<vmem_shared>> -> memref<10016x128xf32, #tpu.memory_space<vmem_shared>>
      tpu.wait_indirect_dma semaphore(%arg14 : memref<!tpu.dma_semaphore, #tpu.memory_space<semaphore_mem>>) src(%arg10 : memref<128x128xf32, #tpu.memory_space<vmem>>) dst(%dma_wait3A_116 : memref<10016x128xf32, #tpu.memory_space<vmem_shared>>)
      %add3A_117 = arith.constant 2 : i32
      %add3A_118 = arith.addi %add3A_86, %add3A_117 : i32
      %lt3A_119 = arith.constant 40 : i32
      %lt3A_120 = arith.cmpi slt, %add3A_118, %lt3A_119 : i32
      %convert_element_type3A_121 = arith.extui %lt3A_120 : i1 to i32
      %cond3A_122 = arith.constant 0 : i32
      %cond3A_123 = arith.cmpi ne, %convert_element_type3A_121, %cond3A_122 : i32
      scf.if %cond3A_123 {
        %add3A_140 = arith.constant 2 : i32
        %add3A_141 = arith.addi %add3A_86, %add3A_140 : i32
        %dma_start3A_142 = arith.constant 0 : i32
        %dma_start3A_143 = tpu.memref_slice %arg8[%add3A_141, %dma_start3A_142] : memref<40x128xi32, #tpu.memory_space<vmem>> -> memref<1x128xi32, #tpu.memory_space<vmem>>
        %dma_start3A_144 = tpu.memref_squeeze %dma_start3A_143 : memref<1x128xi32, #tpu.memory_space<vmem>> -> memref<128xi32, #tpu.memory_space<vmem>>
        %dma_start3A_145 = arith.constant 0 : i32
        %dma_start3A_146 = arith.constant 0 : i32
        %dma_start3A_147 = tpu.memref_slice %arg2[%dma_start3A_145, %dma_start3A_146] : memref<10000x128xf32, #tpu.memory_space<hbm>> -> memref<10000x128xf32, #tpu.memory_space<hbm>>
        tpu.enqueue_indirect_dma source(%dma_start3A_147 : memref<10000x128xf32, #tpu.memory_space<hbm>>) target(%arg10 : memref<128x128xf32, #tpu.memory_space<vmem>>) offsets(%dma_start3A_144 : memref<128xi32, #tpu.memory_space<vmem>>) semaphore(%arg12 : memref<!tpu.dma_semaphore, #tpu.memory_space<semaphore_mem>>)
      } else {
      }
      %add3A_124 = arith.constant 1 : i32
      %add3A_125 = arith.addi %add3A_86, %add3A_124 : i32
      %dma_wait3A_126 = arith.constant 0 : i32
      %dma_wait3A_127 = tpu.memref_slice %arg8[%add3A_125, %dma_wait3A_126] : memref<40x128xi32, #tpu.memory_space<vmem>> -> memref<1x128xi32, #tpu.memory_space<vmem>>
      %dma_wait3A_128 = tpu.memref_squeeze %dma_wait3A_127 : memref<1x128xi32, #tpu.memory_space<vmem>> -> memref<128xi32, #tpu.memory_space<vmem>>
      %dma_wait3A_129 = arith.constant 0 : i32
      %dma_wait3A_130 = arith.constant 0 : i32
      %dma_wait3A_131 = tpu.memref_slice %arg2[%dma_wait3A_129, %dma_wait3A_130] : memref<10000x128xf32, #tpu.memory_space<hbm>> -> memref<10000x128xf32, #tpu.memory_space<hbm>>
      tpu.wait_indirect_dma semaphore(%arg13 : memref<!tpu.dma_semaphore, #tpu.memory_space<semaphore_mem>>) src(%dma_wait3A_131 : memref<10000x128xf32, #tpu.memory_space<hbm>>) dst(%arg11 : memref<128x128xf32, #tpu.memory_space<vmem>>)
      %add3A_132 = arith.constant 1 : i32
      %add3A_133 = arith.addi %add3A_86, %add3A_132 : i32
      %dma_start3A_134 = arith.constant 0 : i32
      %dma_start3A_135 = tpu.memref_slice %arg9[%add3A_133, %dma_start3A_134] : memref<40x128xi32, #tpu.memory_space<vmem>> -> memref<1x128xi32, #tpu.memory_space<vmem>>
      %dma_start3A_136 = tpu.memref_squeeze %dma_start3A_135 : memref<1x128xi32, #tpu.memory_space<vmem>> -> memref<128xi32, #tpu.memory_space<vmem>>
      %dma_start3A_137 = arith.constant 0 : i32
      %dma_start3A_138 = arith.constant 0 : i32
      %dma_start3A_139 = tpu.memref_slice %arg16[%dma_start3A_137, %dma_start3A_138] : memref<10016x128xf32, #tpu.memory_space<vmem_shared>> -> memref<10016x128xf32, #tpu.memory_space<vmem_shared>>
      tpu.enqueue_indirect_dma source(%arg11 : memref<128x128xf32, #tpu.memory_space<vmem>>) target(%dma_start3A_139 : memref<10016x128xf32, #tpu.memory_space<vmem_shared>>) offsets(%dma_start3A_136 : memref<128xi32, #tpu.memory_space<vmem>>) semaphore(%arg15 : memref<!tpu.dma_semaphore, #tpu.memory_space<semaphore_mem>>) {add = true}
    }
    %scan3A_63 = arith.constant 20 : i32
    %dma_wait3A_64 = arith.constant 39 : i32
    %dma_wait3A_65 = arith.constant 0 : i32
    %dma_wait3A_66 = tpu.memref_slice %arg9[%dma_wait3A_64, %dma_wait3A_65] : memref<40x128xi32, #tpu.memory_space<vmem>> -> memref<1x128xi32, #tpu.memory_space<vmem>>
    %dma_wait3A_67 = tpu.memref_squeeze %dma_wait3A_66 : memref<1x128xi32, #tpu.memory_space<vmem>> -> memref<128xi32, #tpu.memory_space<vmem>>
    %dma_wait3A_68 = arith.constant 0 : i32
    %dma_wait3A_69 = arith.constant 0 : i32
    %dma_wait3A_70 = tpu.memref_slice %arg16[%dma_wait3A_68, %dma_wait3A_69] : memref<10016x128xf32, #tpu.memory_space<vmem_shared>> -> memref<10016x128xf32, #tpu.memory_space<vmem_shared>>
    tpu.wait_indirect_dma semaphore(%arg15 : memref<!tpu.dma_semaphore, #tpu.memory_space<semaphore_mem>>) src(%arg11 : memref<128x128xf32, #tpu.memory_space<vmem>>) dst(%dma_wait3A_70 : memref<10016x128xf32, #tpu.memory_space<vmem_shared>>)
    %barrier3A_71 = arith.constant 0 : index
    tpu.barrier barrier_id(%barrier3A_71)
    %lt3A_72 = arith.constant 15 : i32
    %lt3A_73 = arith.cmpi slt, %arg1, %lt3A_72 : i32
    %convert_element_type3A_74 = arith.extui %lt3A_73 : i1 to i32
    %cond3A_75 = arith.constant 0 : i32
    %cond3A_76 = arith.cmpi ne, %convert_element_type3A_74, %cond3A_75 : i32
    scf.if %cond3A_76 {
      "tpu.region"() ({
        %run_scoped3A = tpu.sem_alloc : memref<!tpu.dma_semaphore, #tpu.memory_space<semaphore_mem>>
        %dma_start3A_82 = arith.constant 0 : i32
        %dma_start3A_83 = tpu.memref_slice %arg7[%arg0, %mul3A_2, %dma_start3A_82] : memref<2x10000x128xf32, #tpu.memory_space<hbm>> -> memref<1x632x128xf32, #tpu.memory_space<hbm>>
        %dma_start3A_84 = tpu.memref_squeeze %dma_start3A_83 : memref<1x632x128xf32, #tpu.memory_space<hbm>> -> memref<632x128xf32, #tpu.memory_space<hbm>>
        %dma_start3A_85 = arith.constant 0 : i32
        %dma_start3A_86 = tpu.memref_slice %arg16[%mul3A_2, %dma_start3A_85] : memref<10016x128xf32, #tpu.memory_space<vmem_shared>> -> memref<632x128xf32, #tpu.memory_space<vmem_shared>>
        tpu.enqueue_dma source(%dma_start3A_86 : memref<632x128xf32, #tpu.memory_space<vmem_shared>>) target(%dma_start3A_84 : memref<632x128xf32, #tpu.memory_space<hbm>>) target_semaphore(%run_scoped3A : memref<!tpu.dma_semaphore, #tpu.memory_space<semaphore_mem>>)
        %dma_wait3A_87 = arith.constant 0 : i32
        %dma_wait3A_88 = tpu.memref_slice %arg7[%arg0, %mul3A_2, %dma_wait3A_87] : memref<2x10000x128xf32, #tpu.memory_space<hbm>> -> memref<1x632x128xf32, #tpu.memory_space<hbm>>
        %dma_wait3A_89 = tpu.memref_squeeze %dma_wait3A_88 : memref<1x632x128xf32, #tpu.memory_space<hbm>> -> memref<632x128xf32, #tpu.memory_space<hbm>>
        %dma_wait3A_90 = arith.constant 0 : i32
        %dma_wait3A_91 = tpu.memref_slice %arg16[%mul3A_2, %dma_wait3A_90] : memref<10016x128xf32, #tpu.memory_space<vmem_shared>> -> memref<632x128xf32, #tpu.memory_space<vmem_shared>>
        tpu.wait_dma2 semaphore(%run_scoped3A : memref<!tpu.dma_semaphore, #tpu.memory_space<semaphore_mem>>) src(%dma_wait3A_91 : memref<632x128xf32, #tpu.memory_space<vmem_shared>>) dst(%dma_wait3A_89 : memref<632x128xf32, #tpu.memory_space<hbm>>)
        tpu.yield
      }) : () -> ()
    } else {
    }
    %eq3A_77 = arith.constant 15 : i32
    %eq3A_78 = arith.cmpi eq, %arg1, %eq3A_77 : i32
    %convert_element_type3A_79 = arith.extui %eq3A_78 : i1 to i32
    %cond3A_80 = arith.constant 0 : i32
    %cond3A_81 = arith.cmpi ne, %convert_element_type3A_79, %cond3A_80 : i32
    scf.if %cond3A_81 {
      "tpu.region"() ({
        %run_scoped3A = tpu.sem_alloc : memref<!tpu.dma_semaphore, #tpu.memory_space<semaphore_mem>>
        %dma_start3A_82 = arith.constant 0 : i32
        %dma_start3A_83 = tpu.memref_slice %arg7[%arg0, %mul3A_2, %dma_start3A_82] : memref<2x10000x128xf32, #tpu.memory_space<hbm>> -> memref<1x520x128xf32, #tpu.memory_space<hbm>>
        %dma_start3A_84 = tpu.memref_squeeze %dma_start3A_83 : memref<1x520x128xf32, #tpu.memory_space<hbm>> -> memref<520x128xf32, #tpu.memory_space<hbm>>
        %dma_start3A_85 = arith.constant 0 : i32
        %dma_start3A_86 = tpu.memref_slice %arg16[%mul3A_2, %dma_start3A_85] : memref<10016x128xf32, #tpu.memory_space<vmem_shared>> -> memref<520x128xf32, #tpu.memory_space<vmem_shared>>
        tpu.enqueue_dma source(%dma_start3A_86 : memref<520x128xf32, #tpu.memory_space<vmem_shared>>) target(%dma_start3A_84 : memref<520x128xf32, #tpu.memory_space<hbm>>) target_semaphore(%run_scoped3A : memref<!tpu.dma_semaphore, #tpu.memory_space<semaphore_mem>>)
        %dma_wait3A_87 = arith.constant 0 : i32
        %dma_wait3A_88 = tpu.memref_slice %arg7[%arg0, %mul3A_2, %dma_wait3A_87] : memref<2x10000x128xf32, #tpu.memory_space<hbm>> -> memref<1x520x128xf32, #tpu.memory_space<hbm>>
        %dma_wait3A_89 = tpu.memref_squeeze %dma_wait3A_88 : memref<1x520x128xf32, #tpu.memory_space<hbm>> -> memref<520x128xf32, #tpu.memory_space<hbm>>
        %dma_wait3A_90 = arith.constant 0 : i32
        %dma_wait3A_91 = tpu.memref_slice %arg16[%mul3A_2, %dma_wait3A_90] : memref<10016x128xf32, #tpu.memory_space<vmem_shared>> -> memref<520x128xf32, #tpu.memory_space<vmem_shared>>
        tpu.wait_dma2 semaphore(%run_scoped3A : memref<!tpu.dma_semaphore, #tpu.memory_space<semaphore_mem>>) src(%dma_wait3A_91 : memref<520x128xf32, #tpu.memory_space<vmem_shared>>) dst(%dma_wait3A_89 : memref<520x128xf32, #tpu.memory_space<hbm>>)
        tpu.yield
      }) : () -> ()
    } else {
    }
    return
  }
}

#map = affine_map<(d0, d1) -> (0, 0, 0)>
#map1 = affine_map<(d0, d1) -> (0, 0)>
#map2 = affine_map<(d0, d1) -> (0)>
module attributes {stable_mosaic.version = 14 : i64} {
  func.func @_degree_hist(%arg0: i32, %arg1: i32, %arg2: memref<2x2500x128xi32, #tpu.memory_space<hbm>>, %arg3: memref<160x128xi32, #tpu.memory_space<hbm>>, %arg4: memref<327680xf32, #tpu.memory_space<hbm>>, %arg5: memref<80x128xi32, #tpu.memory_space<vmem>>, %arg6: memref<10240xf32, #tpu.memory_space<vmem>>) attributes {dimension_semantics = [#tpu.dimension_semantics<core_parallel>, #tpu.dimension_semantics<subcore_parallel>], iteration_bounds = array<i64: 2, 16>, scalar_prefetch = 0 : i64, scratch_operands = 2 : i64, tpu.core_type = #tpu.core_type<sc_vector_subcore>, window_params = [{transform_indices = #map}, {transform_indices = #map1}, {transform_indices = #map2}]} {
    %mul3A = arith.constant 16 : i32
    %mul3A_0 = arith.muli %arg0, %mul3A : i32
    %add3A = arith.addi %mul3A_0, %arg1 : i32
    %mul3A_1 = arith.constant 80 : i32
    %mul3A_2 = arith.muli %add3A, %mul3A_1 : i32
    %lt3A = arith.constant 2400 : i32
    %lt3A_3 = arith.cmpi slt, %mul3A_2, %lt3A : i32
    %convert_element_type3A = arith.extui %lt3A_3 : i1 to i32
    %cond3A = arith.constant 0 : i32
    %cond3A_4 = arith.cmpi ne, %convert_element_type3A, %cond3A : i32
    scf.if %cond3A_4 {
      %run_scoped3A = arith.constant 1 : i32
      "tpu.region"() ({
        %run_scoped3A_21 = tpu.sem_alloc : memref<!tpu.dma_semaphore, #tpu.memory_space<semaphore_mem>>
        %dma_start3A = arith.constant 0 : i32
        %dma_start3A_22 = tpu.memref_slice %arg2[%run_scoped3A, %mul3A_2, %dma_start3A] : memref<2x2500x128xi32, #tpu.memory_space<hbm>> -> memref<1x80x128xi32, #tpu.memory_space<hbm>>
        %dma_start3A_23 = tpu.memref_squeeze %dma_start3A_22 : memref<1x80x128xi32, #tpu.memory_space<hbm>> -> memref<80x128xi32, #tpu.memory_space<hbm>>
        %dma_start3A_24 = arith.constant 0 : i32
        %dma_start3A_25 = tpu.memref_slice %arg2[%run_scoped3A, %mul3A_2, %dma_start3A_24] : memref<2x2500x128xi32, #tpu.memory_space<hbm>> -> memref<1x80x128xi32, #tpu.memory_space<hbm>>
        %dma_start3A_26 = tpu.memref_squeeze %dma_start3A_25 : memref<1x80x128xi32, #tpu.memory_space<hbm>> -> memref<80x128xi32, #tpu.memory_space<hbm>>
        tpu.enqueue_dma source(%dma_start3A_26 : memref<80x128xi32, #tpu.memory_space<hbm>>) target(%arg5 : memref<80x128xi32, #tpu.memory_space<vmem>>) target_semaphore(%run_scoped3A_21 : memref<!tpu.dma_semaphore, #tpu.memory_space<semaphore_mem>>)
        %dma_wait3A = arith.constant 0 : i32
        %dma_wait3A_27 = tpu.memref_slice %arg2[%run_scoped3A, %mul3A_2, %dma_wait3A] : memref<2x2500x128xi32, #tpu.memory_space<hbm>> -> memref<1x80x128xi32, #tpu.memory_space<hbm>>
        %dma_wait3A_28 = tpu.memref_squeeze %dma_wait3A_27 : memref<1x80x128xi32, #tpu.memory_space<hbm>> -> memref<80x128xi32, #tpu.memory_space<hbm>>
        %dma_wait3A_29 = arith.constant 0 : i32
        %dma_wait3A_30 = tpu.memref_slice %arg2[%run_scoped3A, %mul3A_2, %dma_wait3A_29] : memref<2x2500x128xi32, #tpu.memory_space<hbm>> -> memref<1x80x128xi32, #tpu.memory_space<hbm>>
        %dma_wait3A_31 = tpu.memref_squeeze %dma_wait3A_30 : memref<1x80x128xi32, #tpu.memory_space<hbm>> -> memref<80x128xi32, #tpu.memory_space<hbm>>
        tpu.wait_dma2 semaphore(%run_scoped3A_21 : memref<!tpu.dma_semaphore, #tpu.memory_space<semaphore_mem>>) src(%dma_wait3A_31 : memref<80x128xi32, #tpu.memory_space<hbm>>) dst(%arg5 : memref<80x128xi32, #tpu.memory_space<vmem>>)
        tpu.yield
      }) : () -> ()
    } else {
    }
    %ge3A = arith.constant 2400 : i32
    %ge3A_5 = arith.cmpi sge, %mul3A_2, %ge3A : i32
    %convert_element_type3A_6 = arith.extui %ge3A_5 : i1 to i32
    %cond3A_7 = arith.constant 0 : i32
    %cond3A_8 = arith.cmpi ne, %convert_element_type3A_6, %cond3A_7 : i32
    scf.if %cond3A_8 {
      %sub3A = arith.constant 2400 : i32
      %sub3A_21 = arith.subi %mul3A_2, %sub3A : i32
      "tpu.region"() ({
        %run_scoped3A = tpu.sem_alloc : memref<!tpu.dma_semaphore, #tpu.memory_space<semaphore_mem>>
        %dma_start3A = arith.constant 0 : i32
        %dma_start3A_22 = tpu.memref_slice %arg3[%sub3A_21, %dma_start3A] : memref<160x128xi32, #tpu.memory_space<hbm>> -> memref<80x128xi32, #tpu.memory_space<hbm>>
        %dma_start3A_23 = arith.constant 0 : i32
        %dma_start3A_24 = tpu.memref_slice %arg3[%sub3A_21, %dma_start3A_23] : memref<160x128xi32, #tpu.memory_space<hbm>> -> memref<80x128xi32, #tpu.memory_space<hbm>>
        tpu.enqueue_dma source(%dma_start3A_24 : memref<80x128xi32, #tpu.memory_space<hbm>>) target(%arg5 : memref<80x128xi32, #tpu.memory_space<vmem>>) target_semaphore(%run_scoped3A : memref<!tpu.dma_semaphore, #tpu.memory_space<semaphore_mem>>)
        %dma_wait3A = arith.constant 0 : i32
        %dma_wait3A_25 = tpu.memref_slice %arg3[%sub3A_21, %dma_wait3A] : memref<160x128xi32, #tpu.memory_space<hbm>> -> memref<80x128xi32, #tpu.memory_space<hbm>>
        %dma_wait3A_26 = arith.constant 0 : i32
        %dma_wait3A_27 = tpu.memref_slice %arg3[%sub3A_21, %dma_wait3A_26] : memref<160x128xi32, #tpu.memory_space<hbm>> -> memref<80x128xi32, #tpu.memory_space<hbm>>
        tpu.wait_dma2 semaphore(%run_scoped3A : memref<!tpu.dma_semaphore, #tpu.memory_space<semaphore_mem>>) src(%dma_wait3A_27 : memref<80x128xi32, #tpu.memory_space<hbm>>) dst(%arg5 : memref<80x128xi32, #tpu.memory_space<vmem>>)
        tpu.yield
      }) : () -> ()
    } else {
    }
    %scan3A = arith.constant 0 : i32
    %scan3A_9 = arith.constant 640 : i32
    %scan3A_10 = arith.addi %scan3A, %scan3A_9 : i32
    %scan3A_11 = arith.constant 1 : i32
    scf.for %scan3A_21 = %scan3A to %scan3A_10 step %scan3A_11  : i32 {
      %mul3A_22 = arith.constant 16 : i32
      %mul3A_23 = arith.muli %scan3A_21, %mul3A_22 : i32
      %add3A_24 = arith.constant 0 : i32
      %add3A_25 = arith.addi %add3A_24, %mul3A_23 : i32
      %broadcast_in_dim3A_26 = arith.constant 0.000000e+00 : f32
      %broadcast_in_dim3A_27 = vector.broadcast %broadcast_in_dim3A_26 : f32 to vector<16xf32>
      %swap3A = arith.index_cast %add3A_25 : i32 to index
      %swap3A_28 = tpu.vector_load %arg6[%swap3A] {strides = array<i32>} : memref<10240xf32, #tpu.memory_space<vmem>>, vector<16xf32>,
      tpu.vector_store %arg6[%swap3A], %broadcast_in_dim3A_27 {strides = array<i32>} : memref<10240xf32, #tpu.memory_space<vmem>>, vector<16xf32>,
    }
    %scan3A_12 = arith.constant 640 : i32
    %broadcast_in_dim3A = arith.constant 1.000000e+00 : f32
    %broadcast_in_dim3A_13 = vector.broadcast %broadcast_in_dim3A : f32 to vector<16xf32>
    %scan3A_14 = arith.constant 0 : i32
    %scan3A_15 = arith.constant 80 : i32
    %scan3A_16 = arith.addi %scan3A_14, %scan3A_15 : i32
    %scan3A_17 = arith.constant 1 : i32
    scf.for %scan3A_21 = %scan3A_14 to %scan3A_16 step %scan3A_17  : i32 {
      %mul3A_22 = arith.constant 1 : i32
      %mul3A_23 = arith.muli %scan3A_21, %mul3A_22 : i32
      %add3A_24 = arith.constant 0 : i32
      %add3A_25 = arith.addi %add3A_24, %mul3A_23 : i32
      %scan3A_26 = arith.constant 0 : i32
      %scan3A_27 = arith.constant 8 : i32
      %scan3A_28 = arith.addi %scan3A_26, %scan3A_27 : i32
      %scan3A_29 = arith.constant 1 : i32
      scf.for %scan3A_31 = %scan3A_26 to %scan3A_28 step %scan3A_29  : i32 {
        %mul3A_32 = arith.constant 16 : i32
        %mul3A_33 = arith.muli %scan3A_31, %mul3A_32 : i32
        %add3A_34 = arith.constant 0 : i32
        %add3A_35 = arith.addi %add3A_34, %mul3A_33 : i32
        %get3A = arith.index_cast %add3A_25 : i32 to index
        %get3A_36 = arith.index_cast %add3A_35 : i32 to index
        %get3A_37 = tpu.vector_load %arg5[%get3A, %get3A_36] {strides = array<i32>} : memref<80x128xi32, #tpu.memory_space<vmem>>, vector<16xi32>,
        tpu.vector_store_idx %arg6[%get3A_37], %broadcast_in_dim3A_13 {add = true} : memref<10240xf32, #tpu.memory_space<vmem>>[vector<16xi32>], vector<16xf32>,
      }
      %scan3A_30 = arith.constant 8 : i32
    }
    %scan3A_18 = arith.constant 80 : i32
    %mul3A_19 = arith.constant 10240 : i32
    %mul3A_20 = arith.muli %add3A, %mul3A_19 : i32
    "tpu.region"() ({
      %run_scoped3A = tpu.sem_alloc : memref<!tpu.dma_semaphore, #tpu.memory_space<semaphore_mem>>
      %dma_start3A = tpu.memref_slice %arg4[%mul3A_20] : memref<327680xf32, #tpu.memory_space<hbm>> -> memref<10240xf32, #tpu.memory_space<hbm>>
      %dma_start3A_21 = tpu.memref_slice %arg4[%mul3A_20] : memref<327680xf32, #tpu.memory_space<hbm>> -> memref<10240xf32, #tpu.memory_space<hbm>>
      tpu.enqueue_dma source(%arg6 : memref<10240xf32, #tpu.memory_space<vmem>>) target(%dma_start3A_21 : memref<10240xf32, #tpu.memory_space<hbm>>) target_semaphore(%run_scoped3A : memref<!tpu.dma_semaphore, #tpu.memory_space<semaphore_mem>>)
      %dma_wait3A = tpu.memref_slice %arg4[%mul3A_20] : memref<327680xf32, #tpu.memory_space<hbm>> -> memref<10240xf32, #tpu.memory_space<hbm>>
      %dma_wait3A_22 = tpu.memref_slice %arg4[%mul3A_20] : memref<327680xf32, #tpu.memory_space<hbm>> -> memref<10240xf32, #tpu.memory_space<hbm>>
      tpu.wait_dma2 semaphore(%run_scoped3A : memref<!tpu.dma_semaphore, #tpu.memory_space<semaphore_mem>>) src(%arg6 : memref<10240xf32, #tpu.memory_space<vmem>>) dst(%dma_wait3A_22 : memref<10240xf32, #tpu.memory_space<hbm>>)
      tpu.yield
    }) : () -> ()
    return
  }
}

#map = affine_map<(d0, d1) -> (0)>
#map1 = affine_map<(d0, d1) -> (0, 0, 0)>
#map2 = affine_map<(d0, d1) -> (0, 0)>
module attributes {stable_mosaic.version = 14 : i64} {
  func.func @_propagate_scalar_out(%arg0: i32, %arg1: i32, %arg2: memref<10000xf32, #tpu.memory_space<hbm>>, %arg3: memref<10240xf32, #tpu.memory_space<hbm>>, %arg4: memref<10240xf32, #tpu.memory_space<hbm>>, %arg5: memref<2x2500x128xi32, #tpu.memory_space<hbm>>, %arg6: memref<160x128xi32, #tpu.memory_space<hbm>>, %arg7: memref<160x128xi32, #tpu.memory_space<hbm>>, %arg8: memref<10240xf32, #tpu.memory_space<hbm>>, %arg9: memref<160x128xi32, #tpu.memory_space<vmem>>, %arg10: memref<160x128xi32, #tpu.memory_space<vmem>>, %arg11: memref<10000xf32, #tpu.memory_space<vmem>>, %arg12: memref<10240xf32, #tpu.memory_space<vmem>>, %arg13: memref<16x640xf32, #tpu.memory_space<vmem>>, %arg14: memref<640xf32, #tpu.memory_space<vmem>>, %arg15: memref<640xf32, #tpu.memory_space<vmem>>, %arg16: memref<640xf32, #tpu.memory_space<vmem>>, %arg17: memref<16x10240xf32, #tpu.memory_space<vmem_shared>>) attributes {dimension_semantics = [#tpu.dimension_semantics<core_parallel>, #tpu.dimension_semantics<subcore_parallel>], iteration_bounds = array<i64: 2, 16>, scalar_prefetch = 0 : i64, scratch_operands = 9 : i64, tpu.core_type = #tpu.core_type<sc_vector_subcore>, window_params = [{transform_indices = #map}, {transform_indices = #map}, {transform_indices = #map}, {transform_indices = #map1}, {transform_indices = #map2}, {transform_indices = #map2}, {transform_indices = #map}]} {
    %eq3A = arith.constant 0 : i32
    %eq3A_0 = arith.cmpi eq, %arg0, %eq3A : i32
    %convert_element_type3A = arith.extui %eq3A_0 : i1 to i32
    %cond3A = arith.constant 0 : i32
    %cond3A_1 = arith.cmpi ne, %convert_element_type3A, %cond3A : i32
    scf.if %cond3A_1 {
      %mul3A = arith.constant 160 : i32
      %mul3A_2 = arith.muli %arg1, %mul3A : i32
      %lt3A = arith.constant 2400 : i32
      %lt3A_3 = arith.cmpi slt, %mul3A_2, %lt3A : i32
      %convert_element_type3A_4 = arith.extui %lt3A_3 : i1 to i32
      %cond3A_5 = arith.constant 0 : i32
      %cond3A_6 = arith.cmpi ne, %convert_element_type3A_4, %cond3A_5 : i32
      scf.if %cond3A_6 {
        %run_scoped3A = arith.constant 0 : i32
        "tpu.region"() ({
          %run_scoped3A_34 = tpu.sem_alloc : memref<!tpu.dma_semaphore, #tpu.memory_space<semaphore_mem>>
          %dma_start3A = arith.constant 0 : i32
          %dma_start3A_35 = tpu.memref_slice %arg5[%run_scoped3A, %mul3A_2, %dma_start3A] : memref<2x2500x128xi32, #tpu.memory_space<hbm>> -> memref<1x160x128xi32, #tpu.memory_space<hbm>>
          %dma_start3A_36 = tpu.memref_squeeze %dma_start3A_35 : memref<1x160x128xi32, #tpu.memory_space<hbm>> -> memref<160x128xi32, #tpu.memory_space<hbm>>
          %dma_start3A_37 = arith.constant 0 : i32
          %dma_start3A_38 = tpu.memref_slice %arg5[%run_scoped3A, %mul3A_2, %dma_start3A_37] : memref<2x2500x128xi32, #tpu.memory_space<hbm>> -> memref<1x160x128xi32, #tpu.memory_space<hbm>>
          %dma_start3A_39 = tpu.memref_squeeze %dma_start3A_38 : memref<1x160x128xi32, #tpu.memory_space<hbm>> -> memref<160x128xi32, #tpu.memory_space<hbm>>
          tpu.enqueue_dma source(%dma_start3A_39 : memref<160x128xi32, #tpu.memory_space<hbm>>) target(%arg9 : memref<160x128xi32, #tpu.memory_space<vmem>>) target_semaphore(%run_scoped3A_34 : memref<!tpu.dma_semaphore, #tpu.memory_space<semaphore_mem>>)
          %dma_wait3A = arith.constant 0 : i32
          %dma_wait3A_40 = tpu.memref_slice %arg5[%run_scoped3A, %mul3A_2, %dma_wait3A] : memref<2x2500x128xi32, #tpu.memory_space<hbm>> -> memref<1x160x128xi32, #tpu.memory_space<hbm>>
          %dma_wait3A_41 = tpu.memref_squeeze %dma_wait3A_40 : memref<1x160x128xi32, #tpu.memory_space<hbm>> -> memref<160x128xi32, #tpu.memory_space<hbm>>
          %dma_wait3A_42 = arith.constant 0 : i32
          %dma_wait3A_43 = tpu.memref_slice %arg5[%run_scoped3A, %mul3A_2, %dma_wait3A_42] : memref<2x2500x128xi32, #tpu.memory_space<hbm>> -> memref<1x160x128xi32, #tpu.memory_space<hbm>>
          %dma_wait3A_44 = tpu.memref_squeeze %dma_wait3A_43 : memref<1x160x128xi32, #tpu.memory_space<hbm>> -> memref<160x128xi32, #tpu.memory_space<hbm>>
          tpu.wait_dma2 semaphore(%run_scoped3A_34 : memref<!tpu.dma_semaphore, #tpu.memory_space<semaphore_mem>>) src(%dma_wait3A_44 : memref<160x128xi32, #tpu.memory_space<hbm>>) dst(%arg9 : memref<160x128xi32, #tpu.memory_space<vmem>>)
          tpu.yield
        }) : () -> ()
        %run_scoped3A_33 = arith.constant 1 : i32
        "tpu.region"() ({
          %run_scoped3A_34 = tpu.sem_alloc : memref<!tpu.dma_semaphore, #tpu.memory_space<semaphore_mem>>
          %dma_start3A = arith.constant 0 : i32
          %dma_start3A_35 = tpu.memref_slice %arg5[%run_scoped3A_33, %mul3A_2, %dma_start3A] : memref<2x2500x128xi32, #tpu.memory_space<hbm>> -> memref<1x160x128xi32, #tpu.memory_space<hbm>>
          %dma_start3A_36 = tpu.memref_squeeze %dma_start3A_35 : memref<1x160x128xi32, #tpu.memory_space<hbm>> -> memref<160x128xi32, #tpu.memory_space<hbm>>
          %dma_start3A_37 = arith.constant 0 : i32
          %dma_start3A_38 = tpu.memref_slice %arg5[%run_scoped3A_33, %mul3A_2, %dma_start3A_37] : memref<2x2500x128xi32, #tpu.memory_space<hbm>> -> memref<1x160x128xi32, #tpu.memory_space<hbm>>
          %dma_start3A_39 = tpu.memref_squeeze %dma_start3A_38 : memref<1x160x128xi32, #tpu.memory_space<hbm>> -> memref<160x128xi32, #tpu.memory_space<hbm>>
          tpu.enqueue_dma source(%dma_start3A_39 : memref<160x128xi32, #tpu.memory_space<hbm>>) target(%arg10 : memref<160x128xi32, #tpu.memory_space<vmem>>) target_semaphore(%run_scoped3A_34 : memref<!tpu.dma_semaphore, #tpu.memory_space<semaphore_mem>>)
          %dma_wait3A = arith.constant 0 : i32
          %dma_wait3A_40 = tpu.memref_slice %arg5[%run_scoped3A_33, %mul3A_2, %dma_wait3A] : memref<2x2500x128xi32, #tpu.memory_space<hbm>> -> memref<1x160x128xi32, #tpu.memory_space<hbm>>
          %dma_wait3A_41 = tpu.memref_squeeze %dma_wait3A_40 : memref<1x160x128xi32, #tpu.memory_space<hbm>> -> memref<160x128xi32, #tpu.memory_space<hbm>>
          %dma_wait3A_42 = arith.constant 0 : i32
          %dma_wait3A_43 = tpu.memref_slice %arg5[%run_scoped3A_33, %mul3A_2, %dma_wait3A_42] : memref<2x2500x128xi32, #tpu.memory_space<hbm>> -> memref<1x160x128xi32, #tpu.memory_space<hbm>>
          %dma_wait3A_44 = tpu.memref_squeeze %dma_wait3A_43 : memref<1x160x128xi32, #tpu.memory_space<hbm>> -> memref<160x128xi32, #tpu.memory_space<hbm>>
          tpu.wait_dma2 semaphore(%run_scoped3A_34 : memref<!tpu.dma_semaphore, #tpu.memory_space<semaphore_mem>>) src(%dma_wait3A_44 : memref<160x128xi32, #tpu.memory_space<hbm>>) dst(%arg10 : memref<160x128xi32, #tpu.memory_space<vmem>>)
          tpu.yield
        }) : () -> ()
      } else {
      }
      %ge3A = arith.constant 2400 : i32
      %ge3A_7 = arith.cmpi sge, %mul3A_2, %ge3A : i32
      %convert_element_type3A_8 = arith.extui %ge3A_7 : i1 to i32
      %cond3A_9 = arith.constant 0 : i32
      %cond3A_10 = arith.cmpi ne, %convert_element_type3A_8, %cond3A_9 : i32
      scf.if %cond3A_10 {
        "tpu.region"() ({
          %run_scoped3A = tpu.sem_alloc : memref<!tpu.dma_semaphore, #tpu.memory_space<semaphore_mem>>
          tpu.enqueue_dma source(%arg6 : memref<160x128xi32, #tpu.memory_space<hbm>>) target(%arg9 : memref<160x128xi32, #tpu.memory_space<vmem>>) target_semaphore(%run_scoped3A : memref<!tpu.dma_semaphore, #tpu.memory_space<semaphore_mem>>)
          tpu.wait_dma2 semaphore(%run_scoped3A : memref<!tpu.dma_semaphore, #tpu.memory_space<semaphore_mem>>) src(%arg6 : memref<160x128xi32, #tpu.memory_space<hbm>>) dst(%arg9 : memref<160x128xi32, #tpu.memory_space<vmem>>)
          tpu.yield
        }) : () -> ()
        "tpu.region"() ({
          %run_scoped3A = tpu.sem_alloc : memref<!tpu.dma_semaphore, #tpu.memory_space<semaphore_mem>>
          tpu.enqueue_dma source(%arg7 : memref<160x128xi32, #tpu.memory_space<hbm>>) target(%arg10 : memref<160x128xi32, #tpu.memory_space<vmem>>) target_semaphore(%run_scoped3A : memref<!tpu.dma_semaphore, #tpu.memory_space<semaphore_mem>>)
          tpu.wait_dma2 semaphore(%run_scoped3A : memref<!tpu.dma_semaphore, #tpu.memory_space<semaphore_mem>>) src(%arg7 : memref<160x128xi32, #tpu.memory_space<hbm>>) dst(%arg10 : memref<160x128xi32, #tpu.memory_space<vmem>>)
          tpu.yield
        }) : () -> ()
      } else {
      }
      "tpu.region"() ({
        %run_scoped3A = tpu.sem_alloc : memref<!tpu.dma_semaphore, #tpu.memory_space<semaphore_mem>>
        tpu.enqueue_dma source(%arg2 : memref<10000xf32, #tpu.memory_space<hbm>>) target(%arg11 : memref<10000xf32, #tpu.memory_space<vmem>>) target_semaphore(%run_scoped3A : memref<!tpu.dma_semaphore, #tpu.memory_space<semaphore_mem>>)
        tpu.wait_dma2 semaphore(%run_scoped3A : memref<!tpu.dma_semaphore, #tpu.memory_space<semaphore_mem>>) src(%arg2 : memref<10000xf32, #tpu.memory_space<hbm>>) dst(%arg11 : memref<10000xf32, #tpu.memory_space<vmem>>)
        tpu.yield
      }) : () -> ()
      %scan3A = arith.constant 0 : i32
      %scan3A_11 = arith.constant 640 : i32
      %scan3A_12 = arith.addi %scan3A, %scan3A_11 : i32
      %scan3A_13 = arith.constant 1 : i32
      scf.for %scan3A_33 = %scan3A to %scan3A_12 step %scan3A_13  : i32 {
        %mul3A_34 = arith.constant 16 : i32
        %mul3A_35 = arith.muli %scan3A_33, %mul3A_34 : i32
        %add3A = arith.constant 0 : i32
        %add3A_36 = arith.addi %add3A, %mul3A_35 : i32
        %broadcast_in_dim3A = arith.constant 0.000000e+00 : f32
        %broadcast_in_dim3A_37 = vector.broadcast %broadcast_in_dim3A : f32 to vector<16xf32>
        %swap3A = arith.index_cast %add3A_36 : i32 to index
        %swap3A_38 = tpu.vector_load %arg12[%swap3A] {strides = array<i32>} : memref<10240xf32, #tpu.memory_space<vmem>>, vector<16xf32>,
        tpu.vector_store %arg12[%swap3A], %broadcast_in_dim3A_37 {strides = array<i32>} : memref<10240xf32, #tpu.memory_space<vmem>>, vector<16xf32>,
      }
      %scan3A_14 = arith.constant 640 : i32
      %scan3A_15 = arith.constant 0 : i32
      %scan3A_16 = arith.constant 160 : i32
      %scan3A_17 = arith.addi %scan3A_15, %scan3A_16 : i32
      %scan3A_18 = arith.constant 1 : i32
      scf.for %scan3A_33 = %scan3A_15 to %scan3A_17 step %scan3A_18  : i32 {
        %mul3A_34 = arith.constant 1 : i32
        %mul3A_35 = arith.muli %scan3A_33, %mul3A_34 : i32
        %add3A = arith.constant 0 : i32
        %add3A_36 = arith.addi %add3A, %mul3A_35 : i32
        %scan3A_37 = arith.constant 0 : i32
        %scan3A_38 = arith.constant 8 : i32
        %scan3A_39 = arith.addi %scan3A_37, %scan3A_38 : i32
        %scan3A_40 = arith.constant 1 : i32
        scf.for %scan3A_42 = %scan3A_37 to %scan3A_39 step %scan3A_40  : i32 {
          %mul3A_43 = arith.constant 16 : i32
          %mul3A_44 = arith.muli %scan3A_42, %mul3A_43 : i32
          %add3A_45 = arith.constant 0 : i32
          %add3A_46 = arith.addi %add3A_45, %mul3A_44 : i32
          %get3A = arith.index_cast %add3A_36 : i32 to index
          %get3A_47 = arith.index_cast %add3A_46 : i32 to index
          %get3A_48 = tpu.vector_load %arg9[%get3A, %get3A_47] {strides = array<i32>} : memref<160x128xi32, #tpu.memory_space<vmem>>, vector<16xi32>,
          %gather3A = tpu.vector_load_idx %arg11[%get3A_48] : memref<10000xf32, #tpu.memory_space<vmem>>[vector<16xi32>], vector<16xf32>,
          %get3A_49 = arith.index_cast %add3A_36 : i32 to index
          %get3A_50 = arith.index_cast %add3A_46 : i32 to index
          %get3A_51 = tpu.vector_load %arg10[%get3A_49, %get3A_50] {strides = array<i32>} : memref<160x128xi32, #tpu.memory_space<vmem>>, vector<16xi32>,
          tpu.vector_store_idx %arg12[%get3A_51], %gather3A {add = true} : memref<10240xf32, #tpu.memory_space<vmem>>[vector<16xi32>], vector<16xf32>,
        }
        %scan3A_41 = arith.constant 8 : i32
      }
      %scan3A_19 = arith.constant 160 : i32
      "tpu.region"() ({
        %run_scoped3A = tpu.sem_alloc : memref<!tpu.dma_semaphore, #tpu.memory_space<semaphore_mem>>
        %dma_start3A = arith.constant 0 : i32
        %dma_start3A_33 = tpu.memref_slice %arg17[%arg1, %dma_start3A] : memref<16x10240xf32, #tpu.memory_space<vmem_shared>> -> memref<1x10240xf32, #tpu.memory_space<vmem_shared>>
        %dma_start3A_34 = tpu.memref_squeeze %dma_start3A_33 : memref<1x10240xf32, #tpu.memory_space<vmem_shared>> -> memref<10240xf32, #tpu.memory_space<vmem_shared>>
        %dma_start3A_35 = arith.constant 0 : i32
        %dma_start3A_36 = tpu.memref_slice %arg17[%arg1, %dma_start3A_35] : memref<16x10240xf32, #tpu.memory_space<vmem_shared>> -> memref<1x10240xf32, #tpu.memory_space<vmem_shared>>
        %dma_start3A_37 = tpu.memref_squeeze %dma_start3A_36 : memref<1x10240xf32, #tpu.memory_space<vmem_shared>> -> memref<10240xf32, #tpu.memory_space<vmem_shared>>
        tpu.enqueue_dma source(%arg12 : memref<10240xf32, #tpu.memory_space<vmem>>) target(%dma_start3A_37 : memref<10240xf32, #tpu.memory_space<vmem_shared>>) target_semaphore(%run_scoped3A : memref<!tpu.dma_semaphore, #tpu.memory_space<semaphore_mem>>)
        %dma_wait3A = arith.constant 0 : i32
        %dma_wait3A_38 = tpu.memref_slice %arg17[%arg1, %dma_wait3A] : memref<16x10240xf32, #tpu.memory_space<vmem_shared>> -> memref<1x10240xf32, #tpu.memory_space<vmem_shared>>
        %dma_wait3A_39 = tpu.memref_squeeze %dma_wait3A_38 : memref<1x10240xf32, #tpu.memory_space<vmem_shared>> -> memref<10240xf32, #tpu.memory_space<vmem_shared>>
        %dma_wait3A_40 = arith.constant 0 : i32
        %dma_wait3A_41 = tpu.memref_slice %arg17[%arg1, %dma_wait3A_40] : memref<16x10240xf32, #tpu.memory_space<vmem_shared>> -> memref<1x10240xf32, #tpu.memory_space<vmem_shared>>
        %dma_wait3A_42 = tpu.memref_squeeze %dma_wait3A_41 : memref<1x10240xf32, #tpu.memory_space<vmem_shared>> -> memref<10240xf32, #tpu.memory_space<vmem_shared>>
        tpu.wait_dma2 semaphore(%run_scoped3A : memref<!tpu.dma_semaphore, #tpu.memory_space<semaphore_mem>>) src(%arg12 : memref<10240xf32, #tpu.memory_space<vmem>>) dst(%dma_wait3A_42 : memref<10240xf32, #tpu.memory_space<vmem_shared>>)
        tpu.yield
      }) : () -> ()
      %barrier3A = arith.constant 0 : index
      tpu.barrier barrier_id(%barrier3A)
      %mul3A_20 = arith.constant 640 : i32
      %mul3A_21 = arith.muli %arg1, %mul3A_20 : i32
      "tpu.region"() ({
        %run_scoped3A = tpu.sem_alloc : memref<!tpu.dma_semaphore, #tpu.memory_space<semaphore_mem>>
        %dma_start3A = arith.constant 0 : i32
        %dma_start3A_33 = tpu.memref_slice %arg17[%dma_start3A, %mul3A_21] : memref<16x10240xf32, #tpu.memory_space<vmem_shared>> -> memref<16x640xf32, #tpu.memory_space<vmem_shared>>
        %dma_start3A_34 = arith.constant 0 : i32
        %dma_start3A_35 = tpu.memref_slice %arg17[%dma_start3A_34, %mul3A_21] : memref<16x10240xf32, #tpu.memory_space<vmem_shared>> -> memref<16x640xf32, #tpu.memory_space<vmem_shared>>
        tpu.enqueue_dma source(%dma_start3A_35 : memref<16x640xf32, #tpu.memory_space<vmem_shared>>) target(%arg13 : memref<16x640xf32, #tpu.memory_space<vmem>>) target_semaphore(%run_scoped3A : memref<!tpu.dma_semaphore, #tpu.memory_space<semaphore_mem>>)
        %dma_wait3A = arith.constant 0 : i32
        %dma_wait3A_36 = tpu.memref_slice %arg17[%dma_wait3A, %mul3A_21] : memref<16x10240xf32, #tpu.memory_space<vmem_shared>> -> memref<16x640xf32, #tpu.memory_space<vmem_shared>>
        %dma_wait3A_37 = arith.constant 0 : i32
        %dma_wait3A_38 = tpu.memref_slice %arg17[%dma_wait3A_37, %mul3A_21] : memref<16x10240xf32, #tpu.memory_space<vmem_shared>> -> memref<16x640xf32, #tpu.memory_space<vmem_shared>>
        tpu.wait_dma2 semaphore(%run_scoped3A : memref<!tpu.dma_semaphore, #tpu.memory_space<semaphore_mem>>) src(%dma_wait3A_38 : memref<16x640xf32, #tpu.memory_space<vmem_shared>>) dst(%arg13 : memref<16x640xf32, #tpu.memory_space<vmem>>)
        tpu.yield
      }) : () -> ()
      %mul3A_22 = arith.constant 640 : i32
      %mul3A_23 = arith.muli %arg1, %mul3A_22 : i32
      "tpu.region"() ({
        %run_scoped3A = tpu.sem_alloc : memref<!tpu.dma_semaphore, #tpu.memory_space<semaphore_mem>>
        %dma_start3A = tpu.memref_slice %arg3[%mul3A_23] : memref<10240xf32, #tpu.memory_space<hbm>> -> memref<640xf32, #tpu.memory_space<hbm>>
        %dma_start3A_33 = tpu.memref_slice %arg3[%mul3A_23] : memref<10240xf32, #tpu.memory_space<hbm>> -> memref<640xf32, #tpu.memory_space<hbm>>
        tpu.enqueue_dma source(%dma_start3A_33 : memref<640xf32, #tpu.memory_space<hbm>>) target(%arg14 : memref<640xf32, #tpu.memory_space<vmem>>) target_semaphore(%run_scoped3A : memref<!tpu.dma_semaphore, #tpu.memory_space<semaphore_mem>>)
        %dma_wait3A = tpu.memref_slice %arg3[%mul3A_23] : memref<10240xf32, #tpu.memory_space<hbm>> -> memref<640xf32, #tpu.memory_space<hbm>>
        %dma_wait3A_34 = tpu.memref_slice %arg3[%mul3A_23] : memref<10240xf32, #tpu.memory_space<hbm>> -> memref<640xf32, #tpu.memory_space<hbm>>
        tpu.wait_dma2 semaphore(%run_scoped3A : memref<!tpu.dma_semaphore, #tpu.memory_space<semaphore_mem>>) src(%dma_wait3A_34 : memref<640xf32, #tpu.memory_space<hbm>>) dst(%arg14 : memref<640xf32, #tpu.memory_space<vmem>>)
        tpu.yield
      }) : () -> ()
      %mul3A_24 = arith.constant 640 : i32
      %mul3A_25 = arith.muli %arg1, %mul3A_24 : i32
      "tpu.region"() ({
        %run_scoped3A = tpu.sem_alloc : memref<!tpu.dma_semaphore, #tpu.memory_space<semaphore_mem>>
        %dma_start3A = tpu.memref_slice %arg4[%mul3A_25] : memref<10240xf32, #tpu.memory_space<hbm>> -> memref<640xf32, #tpu.memory_space<hbm>>
        %dma_start3A_33 = tpu.memref_slice %arg4[%mul3A_25] : memref<10240xf32, #tpu.memory_space<hbm>> -> memref<640xf32, #tpu.memory_space<hbm>>
        tpu.enqueue_dma source(%dma_start3A_33 : memref<640xf32, #tpu.memory_space<hbm>>) target(%arg15 : memref<640xf32, #tpu.memory_space<vmem>>) target_semaphore(%run_scoped3A : memref<!tpu.dma_semaphore, #tpu.memory_space<semaphore_mem>>)
        %dma_wait3A = tpu.memref_slice %arg4[%mul3A_25] : memref<10240xf32, #tpu.memory_space<hbm>> -> memref<640xf32, #tpu.memory_space<hbm>>
        %dma_wait3A_34 = tpu.memref_slice %arg4[%mul3A_25] : memref<10240xf32, #tpu.memory_space<hbm>> -> memref<640xf32, #tpu.memory_space<hbm>>
        tpu.wait_dma2 semaphore(%run_scoped3A : memref<!tpu.dma_semaphore, #tpu.memory_space<semaphore_mem>>) src(%dma_wait3A_34 : memref<640xf32, #tpu.memory_space<hbm>>) dst(%arg15 : memref<640xf32, #tpu.memory_space<vmem>>)
        tpu.yield
      }) : () -> ()
      %scan3A_26 = arith.constant 0 : i32
      %scan3A_27 = arith.constant 40 : i32
      %scan3A_28 = arith.addi %scan3A_26, %scan3A_27 : i32
      %scan3A_29 = arith.constant 1 : i32
      scf.for %scan3A_33 = %scan3A_26 to %scan3A_28 step %scan3A_29  : i32 {
        %mul3A_34 = arith.constant 16 : i32
        %mul3A_35 = arith.muli %scan3A_33, %mul3A_34 : i32
        %add3A = arith.constant 0 : i32
        %add3A_36 = arith.addi %add3A, %mul3A_35 : i32
        %get3A = arith.constant 0 : i32
        %get3A_37 = arith.index_cast %get3A : i32 to index
        %get3A_38 = arith.index_cast %add3A_36 : i32 to index
        %get3A_39 = tpu.vector_load %arg13[%get3A_37, %get3A_38] {strides = array<i32>} : memref<16x640xf32, #tpu.memory_space<vmem>>, vector<16xf32>,
        %get3A_40 = arith.constant 1 : i32
        %get3A_41 = arith.index_cast %get3A_40 : i32 to index
        %get3A_42 = arith.index_cast %add3A_36 : i32 to index
        %get3A_43 = tpu.vector_load %arg13[%get3A_41, %get3A_42] {strides = array<i32>} : memref<16x640xf32, #tpu.memory_space<vmem>>, vector<16xf32>,
        %add3A_44 = arith.addf %get3A_39, %get3A_43 : vector<16xf32>
        %get3A_45 = arith.constant 2 : i32
        %get3A_46 = arith.index_cast %get3A_45 : i32 to index
        %get3A_47 = arith.index_cast %add3A_36 : i32 to index
        %get3A_48 = tpu.vector_load %arg13[%get3A_46, %get3A_47] {strides = array<i32>} : memref<16x640xf32, #tpu.memory_space<vmem>>, vector<16xf32>,
        %add3A_49 = arith.addf %add3A_44, %get3A_48 : vector<16xf32>
        %get3A_50 = arith.constant 3 : i32
        %get3A_51 = arith.index_cast %get3A_50 : i32 to index
        %get3A_52 = arith.index_cast %add3A_36 : i32 to index
        %get3A_53 = tpu.vector_load %arg13[%get3A_51, %get3A_52] {strides = array<i32>} : memref<16x640xf32, #tpu.memory_space<vmem>>, vector<16xf32>,
        %add3A_54 = arith.addf %add3A_49, %get3A_53 : vector<16xf32>
        %get3A_55 = arith.constant 4 : i32
        %get3A_56 = arith.index_cast %get3A_55 : i32 to index
        %get3A_57 = arith.index_cast %add3A_36 : i32 to index
        %get3A_58 = tpu.vector_load %arg13[%get3A_56, %get3A_57] {strides = array<i32>} : memref<16x640xf32, #tpu.memory_space<vmem>>, vector<16xf32>,
        %add3A_59 = arith.addf %add3A_54, %get3A_58 : vector<16xf32>
        %get3A_60 = arith.constant 5 : i32
        %get3A_61 = arith.index_cast %get3A_60 : i32 to index
        %get3A_62 = arith.index_cast %add3A_36 : i32 to index
        %get3A_63 = tpu.vector_load %arg13[%get3A_61, %get3A_62] {strides = array<i32>} : memref<16x640xf32, #tpu.memory_space<vmem>>, vector<16xf32>,
        %add3A_64 = arith.addf %add3A_59, %get3A_63 : vector<16xf32>
        %get3A_65 = arith.constant 6 : i32
        %get3A_66 = arith.index_cast %get3A_65 : i32 to index
        %get3A_67 = arith.index_cast %add3A_36 : i32 to index
        %get3A_68 = tpu.vector_load %arg13[%get3A_66, %get3A_67] {strides = array<i32>} : memref<16x640xf32, #tpu.memory_space<vmem>>, vector<16xf32>,
        %add3A_69 = arith.addf %add3A_64, %get3A_68 : vector<16xf32>
        %get3A_70 = arith.constant 7 : i32
        %get3A_71 = arith.index_cast %get3A_70 : i32 to index
        %get3A_72 = arith.index_cast %add3A_36 : i32 to index
        %get3A_73 = tpu.vector_load %arg13[%get3A_71, %get3A_72] {strides = array<i32>} : memref<16x640xf32, #tpu.memory_space<vmem>>, vector<16xf32>,
        %add3A_74 = arith.addf %add3A_69, %get3A_73 : vector<16xf32>
        %get3A_75 = arith.constant 8 : i32
        %get3A_76 = arith.index_cast %get3A_75 : i32 to index
        %get3A_77 = arith.index_cast %add3A_36 : i32 to index
        %get3A_78 = tpu.vector_load %arg13[%get3A_76, %get3A_77] {strides = array<i32>} : memref<16x640xf32, #tpu.memory_space<vmem>>, vector<16xf32>,
        %add3A_79 = arith.addf %add3A_74, %get3A_78 : vector<16xf32>
        %get3A_80 = arith.constant 9 : i32
        %get3A_81 = arith.index_cast %get3A_80 : i32 to index
        %get3A_82 = arith.index_cast %add3A_36 : i32 to index
        %get3A_83 = tpu.vector_load %arg13[%get3A_81, %get3A_82] {strides = array<i32>} : memref<16x640xf32, #tpu.memory_space<vmem>>, vector<16xf32>,
        %add3A_84 = arith.addf %add3A_79, %get3A_83 : vector<16xf32>
        %get3A_85 = arith.constant 10 : i32
        %get3A_86 = arith.index_cast %get3A_85 : i32 to index
        %get3A_87 = arith.index_cast %add3A_36 : i32 to index
        %get3A_88 = tpu.vector_load %arg13[%get3A_86, %get3A_87] {strides = array<i32>} : memref<16x640xf32, #tpu.memory_space<vmem>>, vector<16xf32>,
        %add3A_89 = arith.addf %add3A_84, %get3A_88 : vector<16xf32>
        %get3A_90 = arith.constant 11 : i32
        %get3A_91 = arith.index_cast %get3A_90 : i32 to index
        %get3A_92 = arith.index_cast %add3A_36 : i32 to index
        %get3A_93 = tpu.vector_load %arg13[%get3A_91, %get3A_92] {strides = array<i32>} : memref<16x640xf32, #tpu.memory_space<vmem>>, vector<16xf32>,
        %add3A_94 = arith.addf %add3A_89, %get3A_93 : vector<16xf32>
        %get3A_95 = arith.constant 12 : i32
        %get3A_96 = arith.index_cast %get3A_95 : i32 to index
        %get3A_97 = arith.index_cast %add3A_36 : i32 to index
        %get3A_98 = tpu.vector_load %arg13[%get3A_96, %get3A_97] {strides = array<i32>} : memref<16x640xf32, #tpu.memory_space<vmem>>, vector<16xf32>,
        %add3A_99 = arith.addf %add3A_94, %get3A_98 : vector<16xf32>
        %get3A_100 = arith.constant 13 : i32
        %get3A_101 = arith.index_cast %get3A_100 : i32 to index
        %get3A_102 = arith.index_cast %add3A_36 : i32 to index
        %get3A_103 = tpu.vector_load %arg13[%get3A_101, %get3A_102] {strides = array<i32>} : memref<16x640xf32, #tpu.memory_space<vmem>>, vector<16xf32>,
        %add3A_104 = arith.addf %add3A_99, %get3A_103 : vector<16xf32>
        %get3A_105 = arith.constant 14 : i32
        %get3A_106 = arith.index_cast %get3A_105 : i32 to index
        %get3A_107 = arith.index_cast %add3A_36 : i32 to index
        %get3A_108 = tpu.vector_load %arg13[%get3A_106, %get3A_107] {strides = array<i32>} : memref<16x640xf32, #tpu.memory_space<vmem>>, vector<16xf32>,
        %add3A_109 = arith.addf %add3A_104, %get3A_108 : vector<16xf32>
        %get3A_110 = arith.constant 15 : i32
        %get3A_111 = arith.index_cast %get3A_110 : i32 to index
        %get3A_112 = arith.index_cast %add3A_36 : i32 to index
        %get3A_113 = tpu.vector_load %arg13[%get3A_111, %get3A_112] {strides = array<i32>} : memref<16x640xf32, #tpu.memory_space<vmem>>, vector<16xf32>,
        %add3A_114 = arith.addf %add3A_109, %get3A_113 : vector<16xf32>
        %get3A_115 = arith.index_cast %add3A_36 : i32 to index
        %get3A_116 = tpu.vector_load %arg14[%get3A_115] {strides = array<i32>} : memref<640xf32, #tpu.memory_space<vmem>>, vector<16xf32>,
        %mul3A_117 = arith.mulf %get3A_116, %add3A_114 : vector<16xf32>
        %get3A_118 = arith.index_cast %add3A_36 : i32 to index
        %get3A_119 = tpu.vector_load %arg15[%get3A_118] {strides = array<i32>} : memref<640xf32, #tpu.memory_space<vmem>>, vector<16xf32>,
        %add3A_120 = arith.addf %mul3A_117, %get3A_119 : vector<16xf32>
        %neg3A = arith.constant 0.000000e+00 : f32
        %neg3A_121 = vector.broadcast %neg3A : f32 to vector<16xf32>
        %neg3A_122 = arith.subf %neg3A_121, %add3A_120 : vector<16xf32>
        %exp3A = math.exp %neg3A_122 : vector<16xf32>
        %add3A_123 = arith.constant 1.000000e+00 : f32
        %add3A_124 = vector.broadcast %add3A_123 : f32 to vector<16xf32>
        %add3A_125 = arith.addf %add3A_124, %exp3A : vector<16xf32>
        %div3A = arith.constant 1.000000e+00 : f32
        %div3A_126 = vector.broadcast %div3A : f32 to vector<16xf32>
        %div3A_127 = arith.divf %div3A_126, %add3A_125 : vector<16xf32>
        %swap3A = arith.index_cast %add3A_36 : i32 to index
        %swap3A_128 = tpu.vector_load %arg16[%swap3A] {strides = array<i32>} : memref<640xf32, #tpu.memory_space<vmem>>, vector<16xf32>,
        tpu.vector_store %arg16[%swap3A], %div3A_127 {strides = array<i32>} : memref<640xf32, #tpu.memory_space<vmem>>, vector<16xf32>,
      }
      %scan3A_30 = arith.constant 40 : i32
      %mul3A_31 = arith.constant 640 : i32
      %mul3A_32 = arith.muli %arg1, %mul3A_31 : i32
      "tpu.region"() ({
        %run_scoped3A = tpu.sem_alloc : memref<!tpu.dma_semaphore, #tpu.memory_space<semaphore_mem>>
        %dma_start3A = tpu.memref_slice %arg8[%mul3A_32] : memref<10240xf32, #tpu.memory_space<hbm>> -> memref<640xf32, #tpu.memory_space<hbm>>
        %dma_start3A_33 = tpu.memref_slice %arg8[%mul3A_32] : memref<10240xf32, #tpu.memory_space<hbm>> -> memref<640xf32, #tpu.memory_space<hbm>>
        tpu.enqueue_dma source(%arg16 : memref<640xf32, #tpu.memory_space<vmem>>) target(%dma_start3A_33 : memref<640xf32, #tpu.memory_space<hbm>>) target_semaphore(%run_scoped3A : memref<!tpu.dma_semaphore, #tpu.memory_space<semaphore_mem>>)
        %dma_wait3A = tpu.memref_slice %arg8[%mul3A_32] : memref<10240xf32, #tpu.memory_space<hbm>> -> memref<640xf32, #tpu.memory_space<hbm>>
        %dma_wait3A_34 = tpu.memref_slice %arg8[%mul3A_32] : memref<10240xf32, #tpu.memory_space<hbm>> -> memref<640xf32, #tpu.memory_space<hbm>>
        tpu.wait_dma2 semaphore(%run_scoped3A : memref<!tpu.dma_semaphore, #tpu.memory_space<semaphore_mem>>) src(%arg16 : memref<640xf32, #tpu.memory_space<vmem>>) dst(%dma_wait3A_34 : memref<640xf32, #tpu.memory_space<hbm>>)
        tpu.yield
      }) : () -> ()
    } else {
    }
    return
  }
}

module attributes {stable_mosaic.version = 14 : i64} {
  func.func @_tc_mm_body(%arg0: memref<10000x128xf32, #tpu.memory_space<vmem>>, %arg1: memref<128x128xf32, #tpu.memory_space<vmem>>, %arg2: memref<10000x128xf32, #tpu.memory_space<vmem>>) attributes {dimension_semantics = [], scalar_prefetch = 0 : i64, scratch_operands = 0 : i64, tpu.core_type = #tpu.core_type<tc>} {
    %get3A = arith.constant 0 : index
    %get3A_0 = arith.constant 0 : index
    %get3A_1 = vector.load %arg0[%get3A, %get3A_0] : memref<10000x128xf32, #tpu.memory_space<vmem>>, vector<10000x128xf32>
    %get3A_2 = arith.constant 0 : index
    %get3A_3 = arith.constant 0 : index
    %get3A_4 = vector.load %arg1[%get3A_2, %get3A_3] : memref<128x128xf32, #tpu.memory_space<vmem>>, vector<128x128xf32>
    %dot_general3A = arith.constant dense<0.000000e+00> : vector<10000x128xf32>
    %dot_general3A_5 = tpu.matmul %get3A_1, %get3A_4, %dot_general3A {dimension_numbers = #tpu.dot_dimension_numbers<[1], [0], [0], [1], [0, 0, 1, 1], [], []>, transpose_lhs_hint = false} : vector<10000x128xf32>, vector<128x128xf32>, vector<10000x128xf32> -> vector<10000x128xf32>
    %swap3A = arith.constant 0 : index
    %swap3A_6 = arith.constant 0 : index
    %swap3A_7 = vector.load %arg2[%swap3A, %swap3A_6] : memref<10000x128xf32, #tpu.memory_space<vmem>>, vector<10000x128xf32>
    tpu.vector_store %arg2[%swap3A, %swap3A_6], %dot_general3A_5 {strides = array<i32>} : memref<10000x128xf32, #tpu.memory_space<vmem>>, vector<10000x128xf32>,
    return
  }
}

module attributes {stable_mosaic.version = 14 : i64} {
  func.func @_tc_scale_body(%arg0: memref<10000x128xf32, #tpu.memory_space<vmem>>, %arg1: memref<10000x32xf32, #tpu.memory_space<vmem>>, %arg2: memref<10000x128xf32, #tpu.memory_space<vmem>>, %arg3: memref<10000x1xf32, #tpu.memory_space<vmem>>) attributes {dimension_semantics = [], scalar_prefetch = 0 : i64, scratch_operands = 0 : i64, tpu.core_type = #tpu.core_type<tc>} {
    %get3A = arith.constant 0 : index
    %get3A_0 = arith.constant 0 : index
    %get3A_1 = vector.load %arg1[%get3A, %get3A_0] : memref<10000x32xf32, #tpu.memory_space<vmem>>, vector<10000x32xf32>
    %reduce_sum3A = arith.constant dense<0.000000e+00> : vector<10000xf32>
    %reduce_sum3A_2 = vector.multi_reduction <add>, %get3A_1, %reduce_sum3A [1] : vector<10000x32xf32> to vector<10000xf32>
    %broadcast_in_dim3A = vector.shape_cast %reduce_sum3A_2 : vector<10000xf32> to vector<10000x1xf32>
    %add3A = arith.constant 1.000000e+00 : f32
    %add3A_3 = vector.broadcast %add3A : f32 to vector<10000x1xf32>
    %add3A_4 = arith.addf %add3A_3, %broadcast_in_dim3A : vector<10000x1xf32>
    %max3A = arith.constant 9.99999996E-13 : f32
    %max3A_5 = vector.broadcast %max3A : f32 to vector<10000x1xf32>
    %max3A_6 = arith.maximumf %add3A_4, %max3A_5 : vector<10000x1xf32>
    %rsqrt3A = math.rsqrt %max3A_6 : vector<10000x1xf32>
    %get3A_7 = arith.constant 0 : index
    %get3A_8 = arith.constant 0 : index
    %get3A_9 = vector.load %arg0[%get3A_7, %get3A_8] : memref<10000x128xf32, #tpu.memory_space<vmem>>, vector<10000x128xf32>
    %mul3A = vector.broadcast %rsqrt3A : vector<10000x1xf32> to vector<10000x128xf32>
    %mul3A_10 = arith.mulf %get3A_9, %mul3A : vector<10000x128xf32>
    %swap3A = arith.constant 0 : index
    %swap3A_11 = arith.constant 0 : index
    %swap3A_12 = vector.load %arg2[%swap3A, %swap3A_11] : memref<10000x128xf32, #tpu.memory_space<vmem>>, vector<10000x128xf32>
    tpu.vector_store %arg2[%swap3A, %swap3A_11], %mul3A_10 {strides = array<i32>} : memref<10000x128xf32, #tpu.memory_space<vmem>>, vector<10000x128xf32>,
    %swap3A_13 = arith.constant 0 : index
    %swap3A_14 = arith.constant 0 : index
    %swap3A_15 = vector.load %arg3[%swap3A_13, %swap3A_14] : memref<10000x1xf32, #tpu.memory_space<vmem>>, vector<10000x1xf32>
    tpu.vector_store %arg3[%swap3A_13, %swap3A_14], %rsqrt3A {strides = array<i32>} : memref<10000x1xf32, #tpu.memory_space<vmem>>, vector<10000x1xf32>,
    return
  }
}

module attributes {stable_mosaic.version = 14 : i64} {
  func.func @_tc_mid_body(%arg0: memref<10000x128xf32, #tpu.memory_space<vmem>>, %arg1: memref<10000x128xf32, #tpu.memory_space<vmem>>, %arg2: memref<10000x128xf32, #tpu.memory_space<vmem>>, %arg3: memref<10000x1xf32, #tpu.memory_space<vmem>>, %arg4: memref<1x128xf32, #tpu.memory_space<vmem>>, %arg5: memref<128x1xf32, #tpu.memory_space<vmem>>, %arg6: memref<1x1xf32, #tpu.memory_space<vmem>>, %arg7: memref<10000x1xf32, #tpu.memory_space<vmem>>, %arg8: memref<10000x1xf32, #tpu.memory_space<vmem>>) attributes {dimension_semantics = [], scalar_prefetch = 0 : i64, scratch_operands = 0 : i64, tpu.core_type = #tpu.core_type<tc>} {
    %get3A = arith.constant 0 : index
    %get3A_0 = arith.constant 0 : index
    %get3A_1 = vector.load %arg3[%get3A, %get3A_0] : memref<10000x1xf32, #tpu.memory_space<vmem>>, vector<10000x1xf32>
    %get3A_2 = arith.constant 0 : index
    %get3A_3 = arith.constant 0 : index
    %get3A_4 = vector.load %arg0[%get3A_2, %get3A_3] : memref<10000x128xf32, #tpu.memory_space<vmem>>, vector<10000x128xf32>
    %get3A_5 = arith.constant 0 : index
    %get3A_6 = arith.constant 0 : index
    %get3A_7 = vector.load %arg1[%get3A_5, %get3A_6] : memref<10000x128xf32, #tpu.memory_space<vmem>>, vector<10000x128xf32>
    %add3A = arith.addf %get3A_4, %get3A_7 : vector<10000x128xf32>
    %get3A_8 = arith.constant 0 : index
    %get3A_9 = arith.constant 0 : index
    %get3A_10 = vector.load %arg2[%get3A_8, %get3A_9] : memref<10000x128xf32, #tpu.memory_space<vmem>>, vector<10000x128xf32>
    %add3A_11 = arith.addf %add3A, %get3A_10 : vector<10000x128xf32>
    %mul3A = vector.broadcast %get3A_1 : vector<10000x1xf32> to vector<10000x128xf32>
    %mul3A_12 = arith.mulf %mul3A, %add3A_11 : vector<10000x128xf32>
    %get3A_13 = arith.constant 0 : index
    %get3A_14 = arith.constant 0 : index
    %get3A_15 = vector.load %arg4[%get3A_13, %get3A_14] : memref<1x128xf32, #tpu.memory_space<vmem>>, vector<1x128xf32>
    %add3A_16 = vector.broadcast %get3A_15 : vector<1x128xf32> to vector<10000x128xf32>
    %add3A_17 = arith.addf %mul3A_12, %add3A_16 : vector<10000x128xf32>
    %max3A = arith.constant 0.000000e+00 : f32
    %max3A_18 = vector.broadcast %max3A : f32 to vector<10000x128xf32>
    %max3A_19 = arith.maximumf %add3A_17, %max3A_18 : vector<10000x128xf32>
    %get3A_20 = arith.constant 0 : index
    %get3A_21 = arith.constant 0 : index
    %get3A_22 = vector.load %arg5[%get3A_20, %get3A_21] : memref<128x1xf32, #tpu.memory_space<vmem>>, vector<128x1xf32>
    %dot_general3A = arith.constant dense<0.000000e+00> : vector<10000x1xf32>
    %dot_general3A_23 = tpu.matmul %max3A_19, %get3A_22, %dot_general3A {dimension_numbers = #tpu.dot_dimension_numbers<[1], [0], [0], [1], [0, 0, 1, 1], [], []>, transpose_lhs_hint = false} : vector<10000x128xf32>, vector<128x1xf32>, vector<10000x1xf32> -> vector<10000x1xf32>
    %mul3A_24 = arith.mulf %dot_general3A_23, %get3A_1 : vector<10000x1xf32>
    %swap3A = arith.constant 0 : index
    %swap3A_25 = arith.constant 0 : index
    %swap3A_26 = vector.load %arg7[%swap3A, %swap3A_25] : memref<10000x1xf32, #tpu.memory_space<vmem>>, vector<10000x1xf32>
    tpu.vector_store %arg7[%swap3A, %swap3A_25], %mul3A_24 {strides = array<i32>} : memref<10000x1xf32, #tpu.memory_space<vmem>>, vector<10000x1xf32>,
    %mul3A_27 = arith.mulf %mul3A_24, %get3A_1 : vector<10000x1xf32>
    %get3A_28 = arith.constant 0 : index
    %get3A_29 = arith.constant 0 : index
    %get3A_30 = vector.load %arg6[%get3A_28, %get3A_29] : memref<1x1xf32, #tpu.memory_space<vmem>>, vector<1x1xf32>
    %add3A_31 = vector.broadcast %get3A_30 : vector<1x1xf32> to vector<10000x1xf32>
    %add3A_32 = arith.addf %mul3A_27, %add3A_31 : vector<10000x1xf32>
    %swap3A_33 = arith.constant 0 : index
    %swap3A_34 = arith.constant 0 : index
    %swap3A_35 = vector.load %arg8[%swap3A_33, %swap3A_34] : memref<10000x1xf32, #tpu.memory_space<vmem>>, vector<10000x1xf32>
    tpu.vector_store %arg8[%swap3A_33, %swap3A_34], %add3A_32 {strides = array<i32>} : memref<10000x1xf32, #tpu.memory_space<vmem>>, vector<10000x1xf32>,
    return
  }
}

</mosaic_0001>

<sc_bundles>
// kernel: kernel.11.cloned.1.call-start
scs
__scs_entry_jumppad:
0x0: {  	(pc) =	sbr.rel $0x88, $3  }
0x1: {  	(tag) =	ssettag $0x0;
	lr =	simm.s32 $0x1  }
0x2: {  	[smem:$0x3F9B] =	sst lr;
	_ =	strace $0xD0000000  }
0x3: {  	_ = 	snop  }
0x4: {  	_ = 	snop  }
0x5: {  	_ = 	snop  }
0x6: {  	_ = 	snop  }
0x7: {  	_ = 	snop  }
__scs_overlays_trampoline_lowered:
0x8: {  	[smem:$0x3FAA] =	sst s0  }
0x9: {  	[smem:$0x3FAB] =	sst s1  }
0xa: {  	[smem:$0x3FAC] =	sst s2  }
0xb: {  	[smem:$0x3FAD] =	sst s3  }
0xc: {  	[smem:$0x3FAE] =	sst s4  }
0xd: {  	[smem:$0x3FAF] =	sst s5  }
0xe: {  	[smem:$0x3FB0] =	sst s6  }
0xf: {  	[smem:$0x3FB1] =	sst s7  }
0x10: {  	[smem:$0x3FB2] =	sst s8  }
0x11: {  	[smem:$0x3FB3] =	sst s9;
	s0 =	simm.s32 @!p0 $0x0  }
0x12: {  	s1 =	sld [smem:$0x3F99];
	s0 =	simm.s32 @p0 $0x1  }
0x13: {  	[smem:$0x3FB4] =	sst s0;
	s0 =	simm.s32 @!p1 $0x0  }
0x14: {  	s2 =	sld [smem:$0x3F98];
	s0 =	simm.s32 @p1 $0x1  }
0x15: {  	[smem:$0x3FB5] =	sst s0;
	s0 =	simm.s32 @!p2 $0x0  }
0x16: {  	s3 =	sld [smem:$0x3FDB];
	s0 =	simm.s32 @p2 $0x1  }
0x17: {  	s4 =	simm.s32 $0x1BF5;
	[smem:$0x3FB7] =	sst s0  }
0x18: {  	s0 =	sld [smem:$0x3F9A];
	_ =	swait.ge [sflag:s4], $0x0  }
0x19: {  	s7 =	sld [smem:$0x3F9B]  }
0x1a: {  	s8 =	sadd.s32 $0xFFFFE003, lr  }
0x1b: {  	s9 =	sadd.s32 $0xFFFFFEF7, lr;
	s5 =	simm.s32 $0xFFFFFFFF;
	p2 =	slt.u32 s8, $0xFFFFF086  }
0x1c: {  	p1 =	slt.u32 s9, $0xF7A;
	s5 =	simm.s32 @!p2 $0x0  }
0x1d: {  	s5 =	simm.s32 @p1 $0x1;
	p0 =	seq.s32 s7, s2  }
0x1e: {  	s7 =	smul.u32 @!p0 $0xF7A, s2;
	p2 =	seq.s32 @!p0 s5, $0x0  }
0x1f: {  	s9 =	smul.u32 $0xF7A, s1;
	s8 =	simm.s32 @!p0 $0x1BF5;
	p2 =	por !p2, p0  }
0x20: {  	[sflag:s8] =	ssyncset.s32 @!p0 $0xFFFFF086;
	s6 =	sadd.s32 @!p0 s3, s7;
	s7 =	simm.s32 @!p0 $0x108  }
0x21: {  	s3 =	sadd.s32 s3, s9;
	s6 =	sadd.s32 @!p0 $0x88, s6;
	s7 =	simm.s32 @p2 $0x1082  }
0x22: {  	[simem:s7], [sflag:s8] =	dma.local @!p0 [hbm:s6], $0xF7A  }
0x23: {  	s9 =	sor.u32 $0xD0000000, s2;
	s6 =	simm.s32 $0x108;
	_ =	swait.ge @!p0 [sflag:s8], $0x0  }
0x24: {  	s3 =	sadd.s32 $0x88, s3;
	s6 =	simm.s32 @!p1 $0x1082;
	[sflag:s4] =	ssyncset.s32 $0xFFFFF086  }
0x25: {  	[simem:s6], [sflag:s4] =	dma.local [hbm:s3], $0xF7A  }
0x26: {  	[smem:$0x3F9B] =	sst s1;
	(tag) =	ssettag s2;
	_ =	strace s9  }
0x27: {  	s1 =	sld [smem:$0x3FAB]  }
0x28: {  	s2 =	sld [smem:$0x3FAC]  }
0x29: {  	s4 =	sld [smem:$0x3FAE]  }
0x2a: {  	p0 =	seq.s32 s5, $0x0;
	s5 =	sld [smem:$0x3FAF]  }
0x2b: {  	s6 =	sld [smem:$0x3FB0]  }
0x2c: {  	s7 =	sld [smem:$0x3FB1]  }
0x2d: {  	s3 =	simm.s32 $0x108;
	s8 =	sld [smem:$0x3FB2]  }
0x2e: {  	s3 =	simm.s32 @!p0 $0x1082;
	s9 =	sld [smem:$0x3FB3]  }
0x2f: {  	lr =	sadd.s32 s0, s3;
	s0 =	sld [smem:$0x3FAA]  }
0x30: {  	s3 =	sld [smem:$0x3FAD]  }
0x31: {  	[smem:$0x3FB6] =	sst s10  }
0x32: {  	s10 =	sld [smem:$0x3FB4];
	_ =	sdelay $0x3  }
0x33: {  	p0 =	seq.s32 s10, $0x1;
	s10 =	sld [smem:$0x3FB6];
	_ =	sdelay $0x3  }
0x34: {  	[smem:$0x3FB6] =	sst s10  }
0x35: {  	s10 =	sld [smem:$0x3FB5];
	_ =	sdelay $0x3  }
0x36: {  	p1 =	seq.s32 s10, $0x1;
	s10 =	sld [smem:$0x3FB6];
	_ =	sdelay $0x3  }
0x37: {  	[smem:$0x3FB6] =	sst s10  }
0x38: {  	s10 =	sld [smem:$0x3FB7]  }
0x39: {  	_ = 	snop;
	(pc) =	sbr.ind lr, $3  }
0x3a: {  	_ = 	snop  }
0x3b: {  	_ = 	snop  }
0x3c: {  	p2 =	seq.s32 s10, $0x1;
	s10 =	sld [smem:$0x3FB6]  }
0x3d: {  	_ =	shalt  }
0x3e: {  	_ =	shalt  }
0x3f: {  	_ =	shalt  }
0x40: {  	_ =	shalt  }
0x41: {  	_ =	shalt  }
0x42: {  	_ =	shalt  }
0x43: {  	_ =	shalt  }
0x44: {  	_ =	shalt  }
0x45: {  	_ =	shalt  }
0x46: {  	_ =	shalt  }
0x47: {  	_ =	shalt  }
0x48: {  	_ =	shalt  }
0x49: {  	_ =	shalt  }
0x4a: {  	_ =	shalt  }
0x4b: {  	_ =	shalt  }
0x4c: {  	_ =	shalt  }
0x4d: {  	_ =	shalt  }
0x4e: {  	_ =	shalt  }
0x4f: {  	_ =	shalt  }
0x50: {  	_ =	shalt  }
0x51: {  	_ =	shalt  }
0x52: {  	_ =	shalt  }
0x53: {  	_ =	shalt  }
0x54: {  	_ =	shalt  }
0x55: {  	_ =	shalt  }
0x56: {  	_ =	shalt  }
0x57: {  	_ =	shalt  }
0x58: {  	_ =	shalt  }
0x59: {  	_ =	shalt  }
0x5a: {  	_ =	shalt  }
0x5b: {  	_ =	shalt  }
0x5c: {  	_ =	shalt  }
0x5d: {  	_ =	shalt  }
0x5e: {  	_ =	shalt  }
0x5f: {  	_ =	shalt  }
0x60: {  	_ =	shalt  }
0x61: {  	_ =	shalt  }
0x62: {  	_ =	shalt  }
0x63: {  	_ =	shalt  }
0x64: {  	_ =	shalt  }
0x65: {  	_ =	shalt  }
0x66: {  	_ =	shalt  }
0x67: {  	_ =	shalt  }
0x68: {  	_ =	shalt  }
0x69: {  	_ =	shalt  }
0x6a: {  	_ =	shalt  }
0x6b: {  	_ =	shalt  }
0x6c: {  	_ =	shalt  }
0x6d: {  	_ =	shalt  }
0x6e: {  	_ =	shalt  }
0x6f: {  	_ =	shalt  }
0x70: {  	_ =	shalt  }
0x71: {  	_ =	shalt  }
0x72: {  	_ =	shalt  }
0x73: {  	_ =	shalt  }
0x74: {  	_ =	shalt  }
0x75: {  	_ =	shalt  }
0x76: {  	_ =	shalt  }
0x77: {  	_ =	shalt  }
0x78: {  	_ =	shalt  }
0x79: {  	_ =	shalt  }
0x7a: {  	_ =	shalt  }
0x7b: {  	_ =	shalt  }
0x7c: {  	_ =	shalt  }
0x7d: {  	_ =	shalt  }
0x7e: {  	_ =	shalt  }
0x7f: {  	_ =	shalt  }
0x80: {  	_ =	shalt  }
0x81: {  	_ =	shalt  }
0x82: {  	_ =	shalt  }
0x83: {  	_ =	shalt  }
0x84: {  	_ =	shalt  }
0x85: {  	_ =	shalt  }
0x86: {  	_ =	shalt  }
0x87: {  	_ =	shalt  }
.Lfunc_end0:
.L_simem_size_0:
called_computation.1_lowered:
.L_overlay_start_0:
0x88: {  	s2 =	sld [smem:$0x3FD9]  }
0x89: {  	s3 =	sld [smem:$0x3FFE];
	_ =	sdelay $0x1  }
0x8a: {  	s1 =	srdreg.scid  }
0x8b: {  	s0 =	sand.u32 $0x1, s1  }
0x8c: {  	s16 =	sshll.u32 s0, $0xA;
	s2 =	sadd.s32 s3, s2  }
0x8d: {  	s2 =	sadd.s32 s2, s16  }
0x8e: {  	[smem:$0x3FC2] =	sst s2  }
0x8f: {  	_ = 	snop  }
0x90: {  	(tm) =	ssettm $0x1  }
0x91: {  	s17 =	sld [smem:$0x3FFB];
	_ =	sdelay $0x3  }
0x92: {  	_ =	strace s17  }
0x93: {  	s2 =	sld [smem:$0x3FFC];
	_ =	sdelay $0x3  }
0x94: {  	_ =	strace s2  }
0x95: {  	s2 =	sld [smem:$0x3FFD];
	_ =	sdelay $0x3  }
0x96: {  	_ =	strace s2  }
0x97: {  	_ =	strace $0x8FFFFFFF  }
0x98: {  	s18 =	sld [smem:$0x3FDB];
	_ =	sdelay $0x1  }
0x99: {  	s19 =	simm.s32 $_scs_section_size  }
0x9a: {  	s4 =	simm.s32 $_size__tile_overlayer_lowered;
	s5 =	simm.s32 $_tile_overlayer_lowered  }
0x9b: {  	s22 =	simm.s32 $0x1BFF;
	s21 =	sshll.u32 s5, $0x1;
	s2 =	sadd.s32 s19, s18  }
0x9c: {  	s6 =	simm.s32 $0x0;
	s20 =	sshll.u32 s4, $0x1;
	s4 =	sadd.s32 s21, s2  }
0x9d: {  	[timem:s6], [sflag:s22] =	dma.local [hbm:s4], s20  }
0x9e: {  	_ =	swait.ge [sflag:s22], s20  }
0x9f: {  	s3 =	ssub.s32 $0x0, s20;
	[sflag:s22] =	ssyncset.done $0x0  }
0xa0: {  	[sflag:s22] =	ssyncadd.s32 s3;
	_ =	sdelay $0x1  }
0xa1: {  	s23 =	simm.s32 $0x1B8B  }
0xa2: {  	_ =	swait.ge [sflag:s23], $0x1  }
0xa3: {  	[sflag:s23] =	ssyncset.done $0x0  }
0xa4: {  	s25 =	simm.s32 $0x1B8E;
	s24 =	sld [smem:$0x3FFE];
	[sflag:s23] =	ssyncadd.s32 $0xFFFFFFFF  }
0xa5: {  	s26 =	simm.s32 $execute0_lowered;
	[smem:$0x3FD2] =	sst s25  }
0xa6: {  	s4 =	sshll.u32 s26, $0x1;
	_ =	strace $0x80000049;
	[dreg:$0x1] =	wrdreg $0xFFFFFFFF  }
0xa7: {  	s28 =	simm.s32 $_size_execute0_lowered;
	s2 =	sadd.s32 s2, s4;
	[dreg:$0x0] =	wrdreg $0x0  }
0xa8: {  	s4 =	sshll.u32 s28, $0x1;
	[dreg:$0x2] =	wrdreg s2  }
0xa9: {  	[dreg:$0x3] =	wrdreg s4  }
0xaa: {  	[dreg:$0x4] =	wrdreg $0xC0  }
0xab: {  	_ =	task [dreg:s6], $0x5FFFF  }
0xac: {  	[dreg:$0x1] =	wrdreg $0xFFFFFFFF  }
0xad: {  	[dreg:$0x0] =	wrdreg $0x60  }
0xae: {  	[dreg:$0x2] =	wrdreg s24  }
0xaf: {  	[dreg:$0x3] =	wrdreg $0xA8000  }
0xb0: {  	[dreg:$0x4] =	wrdreg $0x9  }
0xb1: {  	_ =	task.clear_ibuf [dreg:s6], $0x5FFFF;
	_ =	strace $0x90000049  }
0xb2: {  	s29 =	simm.s32 $0x9;
	_ =	strace $0x8000004B  }
0xb3: {  	_ =	swait.ge [sflag:s29], $0x1  }
0xb4: {  	[sflag:s29] =	ssyncadd.s32 $0xFFFFFFFF  }
0xb5: {  	_ =	strace $0x9000004B  }
0xb6: {  	_ =	sfence  }
0xb7: {  	s30 =	sld [smem:$0x0];
	_ =	sdelay $0x2  }
0xb8: {  	s31 =	sshll.u32 s1, $0xD;
	s1 =	sshrl.u32 s1, $0x2  }
0xb9: {  	s3 =	sand.u32 $0x4000, s31;
	s1 =	sadd.s32 s1, s30  }
0xba: {  	s0 =	sor.u32 s3, s0;
	s1 =	sshll.u32 s1, $0x11  }
0xbb: {  	s0 =	sor.u32 s1, s0  }
0xbc: {  	s0 =	sadd.s32 $0x8F2B, s0  }
0xbd: {  	[sflag:s0] =	ssyncadd.remote.s32 $0x1  }
0xbe: {  	_ =	sfence.sel $0xFFFF  }
0xbf: {  	[dreg:$0x0] =	wrdreg $0xFFFFFFFF;
	(pc) =	sbr.abs _section_cstart, $3  }
0xc0: {  	[dreg:$0x1] =	wrdreg $0xFFFFFFFF  }
0xc1: {  	_ =	task.clear_ibuf [dreg:s6], $0x2FFFF;
	_ =	strace $0x9FFFFFFF  }
0xc2: {  	(tm) =	ssettm $0x7FFFFFFF  }
0xc3: {  	_ =	shalt  }
tec
execute0_lowered:
.L_overlay_start_1:
0x0: {  	(tag) =	ssettag $0x1  }
0x1: {  	s0 =	rddreg [dreg:$0x0]  }
0x2: {  	s1 =	rddreg [dreg:$0x1]  }
0x3: {  	s2 =	simm.s32 $0x0;
	s5 =	srdreg.scid;
	s19 =	stileid.u32  }
0x4: {  	s28 =	simm.s32 $0x1380;
	s29 =	simm.s32 $0x2700;
	s30 =	simm.s32 $0x2780  }
0x5: {  	s31 =	simm.s32 $0x0;
	[smem:$0x7FF] =	sst s2;
	s3 =	sadd.s32 $0x15C00, s0  }
0x6: {  	s4 =	sadd.s32 $0xE00, s0;
	s6 =	sadd.s32 $0x15200, s0;
	s11 =	sadd.s32 $0x14800, s0  }
0x7: {  	s9 =	sand.u32 $0x1, s5;
	s5 =	sadd.s32 $0x64000, s0;
	s8 =	smul.u32 $0x4F000, s19  }
0x8: {  	s0 =	sadd.s32 $0x66800, s0;
	s15 =	sadd.s32 $0x128400, s1;
	s7 =	sshll.u32 s9, $0x4  }
0x9: {  	s24 =	smul.u32 $0x13C00, s19;
	s10 =	ssub.s32 $0x2, s9;
	s12 =	sor.u32 s19, s7  }
0xa: {  	_ =	strace $0x8000004A;
	s17 =	sshrl.u32 s10, $0x1;
	s13 =	smul.u32 $0x2800, s12  }
0xb: {  	s8 =	sshrl.u32 s8, $0x2;
	p0 =	sgt.u32 s12, $0x1D;
	s12 =	smul.u32 $0x500, s12  }
0xc: {  	s14 =	ssub.s32 s10, s17;
	s18 =	sadd.s32 s8, s1;
	s17 =	smul.u32 $0x138800, s9  }
0xd: {  	[dreg:$0x3] =	wrdreg s18;
	s20 =	sshrl.u32 s13, $0x3;
	s21 =	sadd.s32 $0xFFFB5000, s13  }
0xe: {  	s23 =	sadd.s32 $0xFFFB6400, s13;
	s25 =	sadd.s32 s24, s17;
	s26 =	sshrl.u32 s17, $0x3  }
0xf: {  	s13 =	smax.u32 s14, $0x1;
	s17 =	simm.s32 $0x1400;
	s24 =	simm.s32 $0x2  }
0x10: {  	s7 =	sadd.s32 s4, s20;
	s22 =	sshrl.u32 s21, $0x3;
	s4 =	sadd.s32 s12, s4  }
0x11: {  	s12 =	sshrl.u32 s23, $0x3;
	s20 =	simm.s32 $0x6800;
	s21 =	simm.s32 $0x1  }
0x12: {  	s23 =	simm.s32 $0x100;
	s8 =	sadd.s32 $0x9C80, s7;
	s16 =	sadd.s32 s6, s22  }
0x13: {  	s18 =	sadd.s32 s11, s22;
	s9 =	sadd.s32 $0x280, s4;
	s10 =	sadd.s32 $0x9F00, s4  }
0x14: {  	s4 =	sadd.s32 s6, s12;
	s11 =	sadd.s32 s11, s12;
	s6 =	sshrl.u32 s25, $0x3  }
0x15: {  	s12 =	sadd.s32 s0, s26;
	s22 =	simm.s32 $0x3;
	s25 =	simm.s32 $0x1480  }
0x16: {  	s26 =	simm.s32 $0x4;
	s7 =	smov.u32 @p0 s16;
	s8 =	smov.u32 @p0 s18  }
0x17: {  	s9 =	smov.u32 @p0 s4;
	s10 =	smov.u32 @p0 s11;
	p0 =	seq.s32 s19, $0xF  }
0x18: {  	s11 =	sadd.s32 s0, s6;
	s12 =	sadd.s32 $0x25080, s12;
	s16 =	simm.s32 $0x5  }
0x19: {  	s18 =	simm.s32 $0x80;
	[dreg:$0x4] =	wrdreg s8;
	s0 =	sshll.u32 @!p0 s19, $0x6  }
0x1a: {  	s14 =	sshrl.u32 @p0 s15, $0x3;
	s19 =	simm.s32 $0x2800;
	s15 =	sor.u32 @!p0 $0x1C05, s0  }
.LBB2_1:
0x1b: {  	s0 =	simm.s32 @p0 $0x1FC5  }
0x1c: {  	[spmem:s14], [sflag:s0] =	dma.local @p0 [hbm:s5], $0x2180  }
0x1d: {  	s0 =	simm.s32 @p0 $0x5  }
0x1e: {  	_ =	swait.ge @p0 [sflag:s0], $0x2180  }
0x1f: {  	[sflag:s0] =	ssyncset.done @p0 $0x0  }
0x20: {  	[sflag:s0] =	ssyncadd.s32 @p0 $0xFFFFDE80;
	s0 =	rddreg [dreg:$0x3]  }
0x21: {  	s4 =	simm.s32 @!p0 $0x5;
	s0 =	sshrl.u32 @!p0 s0, $0x3  }
0x22: {  	[spmem:s0], [sflag:s15] =	dma.local @!p0 [hbm:s5], $0x2780  }
0x23: {  	_ =	swait.ge @!p0 [sflag:s4], $0x2780  }
0x24: {  	[sflag:s4] =	ssyncset.done @!p0 $0x0  }
0x25: {  	[sflag:s4] =	ssyncadd.s32 @!p0 $0xFFFFD880  }
0x26: {  	[bflag:$0x0] =	sbarrier.arrive $0xFFFF  }
0x27: {  	[tilespmem:s2], [sflag:$0x5] =	stream.linear.gather [hbm4b:s7+s2], $0x1400, $0x38;
	[tilespmem:$0x1E100] =	vst v63  }
0x28: {  	_ =	swait.ge [sflag:s16], $0x1400  }
0x29: {  	[sflag:s16] =	ssyncset.done $0x0  }
0x2a: {  	s6 =	rddreg [dreg:$0x4];
	[sflag:s16] =	ssyncadd.s32 $0xFFFFEC00  }
0x2b: {  	[tilespmem:s17], [sflag:$0x5] =	stream.linear.gather [hbm4b:s6+s2], $0x1400, $0x38;
	[tilespmem:$0x1E100] =	vst v63  }
0x2c: {  	_ =	swait.ge [sflag:s16], $0x1400  }
0x2d: {  	[sflag:s16] =	ssyncset.done $0x0  }
0x2e: {  	[sflag:s16] =	ssyncadd.s32 $0xFFFFEC00  }
0x2f: {  	[tilespmem:s19], [sflag:$0x1] =	stream.indirect.gather [hbm4b:s3+s18], $0x80, s2, s18, $0xb8;
	[tilespmem:$0x1E100] =	vst v63  }
0x30: {  	_ = 	snop  }
0x31: {  	[tilespmem:s20], [sflag:$0x2] =	stream.indirect.gather [hbm4b:s3+s18], $0x80, s18, s18, $0xb8;
	[tilespmem:$0x1E100] =	vst v63  }
0x32: {  	_ =	swait.ge [sflag:s21], $0x4000  }
0x33: {  	[sflag:s21] =	ssyncset.done $0x0  }
0x34: {  	[sflag:s21] =	ssyncadd.s32 $0xFFFFC000  }
0x35: {  	[spmem:s1] =	stream.indirect.scatter.add.f32 [tilespmem:s19], [sflag:$0x3], $0x80, s17, s18, $0xb8;
	[tilespmem:$0x1E100] =	vst v63  }
0x36: {  	_ =	swait.ge [sflag:s22], $0x4000  }
0x37: {  	[sflag:s22] =	ssyncset.done $0x0  }
0x38: {  	[sflag:s22] =	ssyncadd.s32 $0xFFFFC000  }
0x39: {  	[tilespmem:s19], [sflag:$0x1] =	stream.indirect.gather [hbm4b:s3+s18], $0x80, s23, s18, $0xb8;
	[tilespmem:$0x1E100] =	vst v63  }
0x3a: {  	_ =	swait.ge [sflag:s24], $0x4000  }
0x3b: {  	[sflag:s24] =	ssyncset.done $0x0  }
0x3c: {  	[sflag:s24] =	ssyncadd.s32 $0xFFFFC000  }
0x3d: {  	[spmem:s1] =	stream.indirect.scatter.add.f32 [tilespmem:s20], [sflag:$0x4], $0x80, s25, s18, $0xb8;
	[tilespmem:$0x1E100] =	vst v63  }
0x3e: {  	_ =	swait.ge [sflag:s26], $0x4000  }
0x3f: {  	[sflag:s26] =	ssyncset.done $0x0  }
0x40: {  	s8 =	simm.s32 $0x180;
	[sflag:s26] =	ssyncadd.s32 $0xFFFFC000  }
0x41: {  	[tilespmem:s20], [sflag:$0x2] =	stream.indirect.gather [hbm4b:s3+s18], $0x80, s8, s18, $0xb8;
	[tilespmem:$0x1E100] =	vst v63  }
0x42: {  	_ =	swait.ge [sflag:s21], $0x4000  }
0x43: {  	[sflag:s21] =	ssyncset.done $0x0  }
0x44: {  	s6 =	simm.s32 $0x1500;
	[sflag:s21] =	ssyncadd.s32 $0xFFFFC000  }
0x45: {  	[spmem:s1] =	stream.indirect.scatter.add.f32 [tilespmem:s19], [sflag:$0x3], $0x80, s6, s18, $0xb8;
	[tilespmem:$0x1E100] =	vst v63  }
0x46: {  	_ =	swait.ge [sflag:s22], $0x4000  }
0x47: {  	[sflag:s22] =	ssyncset.done $0x0  }
0x48: {  	s8 =	simm.s32 $0x200;
	[sflag:s22] =	ssyncadd.s32 $0xFFFFC000  }
0x49: {  	[tilespmem:s19], [sflag:$0x1] =	stream.indirect.gather [hbm4b:s3+s18], $0x80, s8, s18, $0xb8;
	[tilespmem:$0x1E100] =	vst v63  }
0x4a: {  	_ =	swait.ge [sflag:s24], $0x4000  }
0x4b: {  	[sflag:s24] =	ssyncset.done $0x0  }
0x4c: {  	s4 =	simm.s32 $0xFFFFBC00;
	s6 =	simm.s32 $0x1580;
	[sflag:s24] =	ssyncadd.s32 $0xFFFFC000  }
.LBB2_2:
0x4d: {  	[spmem:s1] =	stream.indirect.scatter.add.f32 [tilespmem:s20], [sflag:$0x4], $0x80, s6, s18, $0xb8;
	[tilespmem:$0x1E100] =	vst v63  }
0x4e: {  	s6 =	smov.u32 s4  }
0x4f: {  	p1 =	sne.s32 s4, $0xFFFFFC00;
	s4 =	sadd.s32 $0x400, s4;
	_ =	swait.ge [sflag:s26], $0x4000  }
0x50: {  	s6 =	sshra.s32 s6, $0x2;
	[sflag:s26] =	ssyncset.done $0x0  }
0x51: {  	s8 =	sadd.s32 $0x1380, s6;
	[sflag:s26] =	ssyncadd.s32 $0xFFFFC000  }
0x52: {  	[tilespmem:s20], [sflag:$0x2] =	stream.indirect.gather [hbm4b:s3+s18], $0x80, s8, s18, $0xb8;
	[tilespmem:$0x1E100] =	vst v63  }
0x53: {  	_ =	swait.ge [sflag:s21], $0x4000  }
0x54: {  	[sflag:s21] =	ssyncset.done $0x0  }
0x55: {  	s8 =	sadd.s32 $0x2700, s6;
	[sflag:s21] =	ssyncadd.s32 $0xFFFFC000  }
0x56: {  	[spmem:s1] =	stream.indirect.scatter.add.f32 [tilespmem:s19], [sflag:$0x3], $0x80, s8, s18, $0xb8;
	[tilespmem:$0x1E100] =	vst v63  }
0x57: {  	_ =	swait.ge [sflag:s22], $0x4000  }
0x58: {  	[sflag:s22] =	ssyncset.done $0x0  }
.Ltmp0:
0x59: {  	s8 =	sadd.s32 $0x1400, s6;
	[sflag:s22] =	ssyncadd.s32 $0xFFFFC000;
	(pc) =	sbr.rel @p1 .LBB2_2-.Ltmp0, $4  }
0x5a: {  	[tilespmem:s19], [sflag:$0x1] =	stream.indirect.gather [hbm4b:s3+s18], $0x80, s8, s18, $0xb8;
	[tilespmem:$0x1E100] =	vst v63  }
0x5b: {  	_ =	swait.ge [sflag:s24], $0x4000  }
0x5c: {  	[sflag:s24] =	ssyncset.done $0x0  }
0x5d: {  	s6 =	sadd.s32 $0x2780, s6;
	[sflag:s24] =	ssyncadd.s32 $0xFFFFC000  }
0x5e: {  	[spmem:s1] =	stream.indirect.scatter.add.f32 [tilespmem:s20], [sflag:$0x4], $0x80, s6, s18, $0xb8;
	[tilespmem:$0x1E100] =	vst v63  }
0x5f: {  	_ =	swait.ge [sflag:s26], $0x4000  }
0x60: {  	[sflag:s26] =	ssyncset.done $0x0  }
0x61: {  	[sflag:s26] =	ssyncadd.s32 $0xFFFFC000  }
0x62: {  	[tilespmem:s20], [sflag:$0x2] =	stream.indirect.gather [hbm4b:s3+s18], $0x80, s28, s18, $0xb8;
	[tilespmem:$0x1E100] =	vst v63  }
0x63: {  	_ =	swait.ge [sflag:s21], $0x4000  }
0x64: {  	[sflag:s21] =	ssyncset.done $0x0  }
0x65: {  	[sflag:s21] =	ssyncadd.s32 $0xFFFFC000  }
0x66: {  	[spmem:s1] =	stream.indirect.scatter.add.f32 [tilespmem:s19], [sflag:$0x3], $0x80, s29, s18, $0xb8;
	[tilespmem:$0x1E100] =	vst v63  }
0x67: {  	_ =	swait.ge [sflag:s22], $0x4000  }
0x68: {  	[sflag:s22] =	ssyncset.done $0x0  }
0x69: {  	[sflag:s22] =	ssyncadd.s32 $0xFFFFC000  }
0x6a: {  	_ =	swait.ge [sflag:s24], $0x4000  }
0x6b: {  	[sflag:s24] =	ssyncset.done $0x0  }
0x6c: {  	[sflag:s24] =	ssyncadd.s32 $0xFFFFC000  }
0x6d: {  	[spmem:s1] =	stream.indirect.scatter.add.f32 [tilespmem:s20], [sflag:$0x4], $0x80, s30, s18, $0xb8;
	[tilespmem:$0x1E100] =	vst v63  }
0x6e: {  	_ =	swait.ge [sflag:s26], $0x4000  }
0x6f: {  	[sflag:s26] =	ssyncset.done $0x0  }
0x70: {  	[sflag:s26] =	ssyncadd.s32 $0xFFFFC000  }
0x71: {  	[tilespmem:s2], [sflag:$0x5] =	stream.linear.gather [hbm4b:s9+s2], $0x1400, $0x38;
	[tilespmem:$0x1E100] =	vst v63  }
0x72: {  	_ =	swait.ge [sflag:s16], $0x1400  }
0x73: {  	[sflag:s16] =	ssyncset.done $0x0  }
0x74: {  	[sflag:s16] =	ssyncadd.s32 $0xFFFFEC00  }
0x75: {  	[tilespmem:s17], [sflag:$0x5] =	stream.linear.gather [hbm4b:s10+s2], $0x1400, $0x38;
	[tilespmem:$0x1E100] =	vst v63  }
0x76: {  	_ =	swait.ge [sflag:s16], $0x1400  }
0x77: {  	[sflag:s16] =	ssyncset.done $0x0  }
0x78: {  	[sflag:s16] =	ssyncadd.s32 $0xFFFFEC00  }
0x79: {  	[tilespmem:s19], [sflag:$0x1] =	stream.indirect.gather [hbm4b:s3+s18], $0x80, s2, s18, $0xb8;
	[tilespmem:$0x1E100] =	vst v63  }
0x7a: {  	_ = 	snop  }
0x7b: {  	[tilespmem:s20], [sflag:$0x2] =	stream.indirect.gather [hbm4b:s3+s18], $0x80, s18, s18, $0xb8;
	[tilespmem:$0x1E100] =	vst v63  }
0x7c: {  	_ =	swait.ge [sflag:s21], $0x4000  }
0x7d: {  	[sflag:s21] =	ssyncset.done $0x0  }
0x7e: {  	[sflag:s21] =	ssyncadd.s32 $0xFFFFC000  }
0x7f: {  	[spmem:s1] =	stream.indirect.scatter.add.f32 [tilespmem:s19], [sflag:$0x3], $0x80, s17, s18, $0xb8;
	[tilespmem:$0x1E100] =	vst v63  }
0x80: {  	_ =	swait.ge [sflag:s22], $0x4000  }
0x81: {  	[sflag:s22] =	ssyncset.done $0x0  }
0x82: {  	[sflag:s22] =	ssyncadd.s32 $0xFFFFC000  }
0x83: {  	[tilespmem:s19], [sflag:$0x1] =	stream.indirect.gather [hbm4b:s3+s18], $0x80, s23, s18, $0xb8;
	[tilespmem:$0x1E100] =	vst v63  }
0x84: {  	_ =	swait.ge [sflag:s24], $0x4000  }
0x85: {  	[sflag:s24] =	ssyncset.done $0x0  }
0x86: {  	[sflag:s24] =	ssyncadd.s32 $0xFFFFC000  }
0x87: {  	[spmem:s1] =	stream.indirect.scatter.add.f32 [tilespmem:s20], [sflag:$0x4], $0x80, s25, s18, $0xb8;
	[tilespmem:$0x1E100] =	vst v63  }
0x88: {  	_ =	swait.ge [sflag:s26], $0x4000  }
0x89: {  	[sflag:s26] =	ssyncset.done $0x0  }
0x8a: {  	s4 =	simm.s32 $0x180;
	[sflag:s26] =	ssyncadd.s32 $0xFFFFC000  }
0x8b: {  	[tilespmem:s20], [sflag:$0x2] =	stream.indirect.gather [hbm4b:s3+s18], $0x80, s4, s18, $0xb8;
	[tilespmem:$0x1E100] =	vst v63  }
0x8c: {  	_ =	swait.ge [sflag:s21], $0x4000  }
0x8d: {  	[sflag:s21] =	ssyncset.done $0x0  }
0x8e: {  	s6 =	simm.s32 $0x1500;
	[sflag:s21] =	ssyncadd.s32 $0xFFFFC000  }
0x8f: {  	[spmem:s1] =	stream.indirect.scatter.add.f32 [tilespmem:s19], [sflag:$0x3], $0x80, s6, s18, $0xb8;
	[tilespmem:$0x1E100] =	vst v63  }
0x90: {  	_ =	swait.ge [sflag:s22], $0x4000  }
0x91: {  	[sflag:s22] =	ssyncset.done $0x0  }
0x92: {  	s8 =	simm.s32 $0x200;
	[sflag:s22] =	ssyncadd.s32 $0xFFFFC000  }
0x93: {  	[tilespmem:s19], [sflag:$0x1] =	stream.indirect.gather [hbm4b:s3+s18], $0x80, s8, s18, $0xb8;
	[tilespmem:$0x1E100] =	vst v63  }
0x94: {  	_ =	swait.ge [sflag:s24], $0x4000  }
0x95: {  	[sflag:s24] =	ssyncset.done $0x0  }
0x96: {  	s4 =	simm.s32 $0xFFFFBC00;
	s6 =	simm.s32 $0x1580;
	[sflag:s24] =	ssyncadd.s32 $0xFFFFC000  }
.LBB2_4:
0x97: {  	[spmem:s1] =	stream.indirect.scatter.add.f32 [tilespmem:s20], [sflag:$0x4], $0x80, s6, s18, $0xb8;
	[tilespmem:$0x1E100] =	vst v63  }
0x98: {  	s6 =	smov.u32 s4  }
0x99: {  	p1 =	sne.s32 s4, $0xFFFFFC00;
	s4 =	sadd.s32 $0x400, s4;
	_ =	swait.ge [sflag:s26], $0x4000  }
0x9a: {  	s6 =	sshra.s32 s6, $0x2;
	[sflag:s26] =	ssyncset.done $0x0  }
0x9b: {  	s8 =	sadd.s32 $0x1380, s6;
	[sflag:s26] =	ssyncadd.s32 $0xFFFFC000  }
0x9c: {  	[tilespmem:s20], [sflag:$0x2] =	stream.indirect.gather [hbm4b:s3+s18], $0x80, s8, s18, $0xb8;
	[tilespmem:$0x1E100] =	vst v63  }
0x9d: {  	_ =	swait.ge [sflag:s21], $0x4000  }
0x9e: {  	[sflag:s21] =	ssyncset.done $0x0  }
0x9f: {  	s8 =	sadd.s32 $0x2700, s6;
	[sflag:s21] =	ssyncadd.s32 $0xFFFFC000  }
0xa0: {  	[spmem:s1] =	stream.indirect.scatter.add.f32 [tilespmem:s19], [sflag:$0x3], $0x80, s8, s18, $0xb8;
	[tilespmem:$0x1E100] =	vst v63  }
0xa1: {  	_ =	swait.ge [sflag:s22], $0x4000  }
0xa2: {  	[sflag:s22] =	ssyncset.done $0x0  }
.Ltmp1:
0xa3: {  	s8 =	sadd.s32 $0x1400, s6;
	[sflag:s22] =	ssyncadd.s32 $0xFFFFC000;
	(pc) =	sbr.rel @p1 .LBB2_4-.Ltmp1, $4  }
0xa4: {  	[tilespmem:s19], [sflag:$0x1] =	stream.indirect.gather [hbm4b:s3+s18], $0x80, s8, s18, $0xb8;
	[tilespmem:$0x1E100] =	vst v63  }
0xa5: {  	_ =	swait.ge [sflag:s24], $0x4000  }
0xa6: {  	[sflag:s24] =	ssyncset.done $0x0  }
0xa7: {  	s6 =	sadd.s32 $0x2780, s6;
	[sflag:s24] =	ssyncadd.s32 $0xFFFFC000  }
0xa8: {  	[spmem:s1] =	stream.indirect.scatter.add.f32 [tilespmem:s20], [sflag:$0x4], $0x80, s6, s18, $0xb8;
	[tilespmem:$0x1E100] =	vst v63  }
0xa9: {  	_ =	swait.ge [sflag:s26], $0x4000  }
0xaa: {  	[sflag:s26] =	ssyncset.done $0x0  }
0xab: {  	[sflag:s26] =	ssyncadd.s32 $0xFFFFC000  }
0xac: {  	[tilespmem:s20], [sflag:$0x2] =	stream.indirect.gather [hbm4b:s3+s18], $0x80, s28, s18, $0xb8;
	[tilespmem:$0x1E100] =	vst v63  }
0xad: {  	_ =	swait.ge [sflag:s21], $0x4000  }
0xae: {  	[sflag:s21] =	ssyncset.done $0x0  }
0xaf: {  	[sflag:s21] =	ssyncadd.s32 $0xFFFFC000  }
0xb0: {  	[spmem:s1] =	stream.indirect.scatter.add.f32 [tilespmem:s19], [sflag:$0x3], $0x80, s29, s18, $0xb8;
	[tilespmem:$0x1E100] =	vst v63  }
0xb1: {  	_ =	swait.ge [sflag:s22], $0x4000  }
0xb2: {  	[sflag:s22] =	ssyncset.done $0x0  }
0xb3: {  	[sflag:s22] =	ssyncadd.s32 $0xFFFFC000  }
0xb4: {  	_ =	swait.ge [sflag:s24], $0x4000  }
0xb5: {  	[sflag:s24] =	ssyncset.done $0x0  }
0xb6: {  	[sflag:s24] =	ssyncadd.s32 $0xFFFFC000  }
0xb7: {  	[spmem:s1] =	stream.indirect.scatter.add.f32 [tilespmem:s20], [sflag:$0x4], $0x80, s30, s18, $0xb8;
	[tilespmem:$0x1E100] =	vst v63  }
0xb8: {  	_ =	swait.ge [sflag:s26], $0x4000  }
0xb9: {  	[sflag:s26] =	ssyncset.done $0x0  }
0xba: {  	[sflag:s26] =	ssyncadd.s32 $0xFFFFC000  }
0xbb: {  	s4 =	simm.s32 @p0 $0x1FC5;
	[bflag:$0x0] =	sbarrier.arrive $0xFFFF  }
0xbc: {  	[hbm:s12], [sflag:s4] =	dma.local @p0 [spmem:s14], $0x2080  }
0xbd: {  	s4 =	simm.s32 @p0 $0x5  }
0xbe: {  	_ =	swait.ge @p0 [sflag:s4], $0x2080  }
0xbf: {  	s31 =	sadd.s32 $0x1, s31;
	[sflag:s4] =	ssyncset.done @p0 $0x0  }
0xc0: {  	p1 =	sne.s32 s31, s13;
	[sflag:s4] =	ssyncadd.s32 @p0 $0xFFFFDF80  }
0xc1: {  	[hbm:s11], [sflag:s15] =	dma.local @!p0 [spmem:s0], $0x2780  }
.Ltmp2:
0xc2: {  	_ = 	snop;
	(pc) =	sbr.rel @p1 .LBB2_1-.Ltmp2, $4  }
0xc3: {  	s0 =	simm.s32 @!p0 $0x5  }
0xc4: {  	_ =	swait.ge @!p0 [sflag:s0], $0x2780  }
0xc5: {  	[sflag:s0] =	ssyncset.done @!p0 $0x0  }
0xc6: {  	[sflag:s0] =	ssyncadd.s32 @!p0 $0xFFFFD880  }
0xc7: {  	_ =	sfence.sel $0x180000  }
0xc8: {  	[bflag:$0x0] =	sbarrier.arrive $0xFFFF  }
0xc9: {  	_ =	strace $0x9000004A  }
0xca: {  	s0 =	stileid.u32;
	[bflag:$0x2] =	sbarrier.arrive $0xFFFF  }
0xcb: {  	p0 =	sne.s32 s0, $0x0;
	s0 =	rddreg [dreg:$0x2]  }
0xcc: {  	s0 =	sadd.s32 @!p0 $0x100000, s0  }
0xcd: {  	[sflag:s0] =	ssyncadd.tile.s32 @!p0 $0x1;
	_ =	shalt  }
.Lfunc_end2:
_tile_overlayer_lowered:
.L_overlay_start_2:
0xce: {  	(tag) =	ssettag $0x2  }
0xcf: {  	s0 =	rddreg [dreg:$0x0];
	s2 =	stileid.u32  }
0xd0: {  	s1 =	rddreg [dreg:$0x1];
	p0 =	sne.s32 s2, $0x0  }
0xd1: {  	s3 =	rddreg [dreg:$0x2];
	[bflag:$0x3] =	sbarrier.arrive $0xFFFF;
	s2 =	simm.s32 @!p0 $0x1C05  }
0xd2: {  	[timem:s3], [sflag:s2] =	dma.local @!p0 [hbm:s0], s1  }
0xd3: {  	s0 =	simm.s32 @!p0 $0x5  }
0xd4: {  	_ =	swait.ge @!p0 [sflag:s0], s1  }
0xd5: {  	s1 =	ssub.s32 @!p0 $0x0, s1;
	[sflag:s0] =	ssyncset.done @!p0 $0x0  }
0xd6: {  	[sflag:s0] =	ssyncadd.s32 @!p0 s1  }
0xd7: {  	[bflag:$0x3] =	sbarrier.arrive $0xFFFF  }
0xd8: {  	_ =	shalt  }

// kernel: kernel.14.cloned.1.call-start
scs
__scs_entry_jumppad:
0x0: {  	(pc) =	sbr.rel $0x88, $3  }
0x1: {  	(tag) =	ssettag $0x0;
	lr =	simm.s32 $0x1  }
0x2: {  	[smem:$0x3F9B] =	sst lr;
	_ =	strace $0xD0000000  }
0x3: {  	_ = 	snop  }
0x4: {  	_ = 	snop  }
0x5: {  	_ = 	snop  }
0x6: {  	_ = 	snop  }
0x7: {  	_ = 	snop  }
__scs_overlays_trampoline_lowered:
0x8: {  	[smem:$0x3FAA] =	sst s0  }
0x9: {  	[smem:$0x3FAB] =	sst s1  }
0xa: {  	[smem:$0x3FAC] =	sst s2  }
0xb: {  	[smem:$0x3FAD] =	sst s3  }
0xc: {  	[smem:$0x3FAE] =	sst s4  }
0xd: {  	[smem:$0x3FAF] =	sst s5  }
0xe: {  	[smem:$0x3FB0] =	sst s6  }
0xf: {  	[smem:$0x3FB1] =	sst s7  }
0x10: {  	[smem:$0x3FB2] =	sst s8  }
0x11: {  	[smem:$0x3FB3] =	sst s9;
	s0 =	simm.s32 @!p0 $0x0  }
0x12: {  	s1 =	sld [smem:$0x3F99];
	s0 =	simm.s32 @p0 $0x1  }
0x13: {  	[smem:$0x3FB4] =	sst s0;
	s0 =	simm.s32 @!p1 $0x0  }
0x14: {  	s2 =	sld [smem:$0x3F98];
	s0 =	simm.s32 @p1 $0x1  }
0x15: {  	[smem:$0x3FB5] =	sst s0;
	s0 =	simm.s32 @!p2 $0x0  }
0x16: {  	s3 =	sld [smem:$0x3FDB];
	s0 =	simm.s32 @p2 $0x1  }
0x17: {  	s4 =	simm.s32 $0x1BF5;
	[smem:$0x3FB7] =	sst s0  }
0x18: {  	s0 =	sld [smem:$0x3F9A];
	_ =	swait.ge [sflag:s4], $0x0  }
0x19: {  	s7 =	sld [smem:$0x3F9B]  }
0x1a: {  	s8 =	sadd.s32 $0xFFFFE003, lr  }
0x1b: {  	s9 =	sadd.s32 $0xFFFFFEF7, lr;
	s5 =	simm.s32 $0xFFFFFFFF;
	p2 =	slt.u32 s8, $0xFFFFF086  }
0x1c: {  	p1 =	slt.u32 s9, $0xF7A;
	s5 =	simm.s32 @!p2 $0x0  }
0x1d: {  	s5 =	simm.s32 @p1 $0x1;
	p0 =	seq.s32 s7, s2  }
0x1e: {  	s7 =	smul.u32 @!p0 $0xF7A, s2;
	p2 =	seq.s32 @!p0 s5, $0x0  }
0x1f: {  	s9 =	smul.u32 $0xF7A, s1;
	s8 =	simm.s32 @!p0 $0x1BF5;
	p2 =	por !p2, p0  }
0x20: {  	[sflag:s8] =	ssyncset.s32 @!p0 $0xFFFFF086;
	s6 =	sadd.s32 @!p0 s3, s7;
	s7 =	simm.s32 @!p0 $0x108  }
0x21: {  	s3 =	sadd.s32 s3, s9;
	s6 =	sadd.s32 @!p0 $0x88, s6;
	s7 =	simm.s32 @p2 $0x1082  }
0x22: {  	[simem:s7], [sflag:s8] =	dma.local @!p0 [hbm:s6], $0xF7A  }
0x23: {  	s9 =	sor.u32 $0xD0000000, s2;
	s6 =	simm.s32 $0x108;
	_ =	swait.ge @!p0 [sflag:s8], $0x0  }
0x24: {  	s3 =	sadd.s32 $0x88, s3;
	s6 =	simm.s32 @!p1 $0x1082;
	[sflag:s4] =	ssyncset.s32 $0xFFFFF086  }
0x25: {  	[simem:s6], [sflag:s4] =	dma.local [hbm:s3], $0xF7A  }
0x26: {  	[smem:$0x3F9B] =	sst s1;
	(tag) =	ssettag s2;
	_ =	strace s9  }
0x27: {  	s1 =	sld [smem:$0x3FAB]  }
0x28: {  	s2 =	sld [smem:$0x3FAC]  }
0x29: {  	s4 =	sld [smem:$0x3FAE]  }
0x2a: {  	p0 =	seq.s32 s5, $0x0;
	s5 =	sld [smem:$0x3FAF]  }
0x2b: {  	s6 =	sld [smem:$0x3FB0]  }
0x2c: {  	s7 =	sld [smem:$0x3FB1]  }
0x2d: {  	s3 =	simm.s32 $0x108;
	s8 =	sld [smem:$0x3FB2]  }
0x2e: {  	s3 =	simm.s32 @!p0 $0x1082;
	s9 =	sld [smem:$0x3FB3]  }
0x2f: {  	lr =	sadd.s32 s0, s3;
	s0 =	sld [smem:$0x3FAA]  }
0x30: {  	s3 =	sld [smem:$0x3FAD]  }
0x31: {  	[smem:$0x3FB6] =	sst s10  }
0x32: {  	s10 =	sld [smem:$0x3FB4];
	_ =	sdelay $0x3  }
0x33: {  	p0 =	seq.s32 s10, $0x1;
	s10 =	sld [smem:$0x3FB6];
	_ =	sdelay $0x3  }
0x34: {  	[smem:$0x3FB6] =	sst s10  }
0x35: {  	s10 =	sld [smem:$0x3FB5];
	_ =	sdelay $0x3  }
0x36: {  	p1 =	seq.s32 s10, $0x1;
	s10 =	sld [smem:$0x3FB6];
	_ =	sdelay $0x3  }
0x37: {  	[smem:$0x3FB6] =	sst s10  }
0x38: {  	s10 =	sld [smem:$0x3FB7]  }
0x39: {  	_ = 	snop;
	(pc) =	sbr.ind lr, $3  }
0x3a: {  	_ = 	snop  }
0x3b: {  	_ = 	snop  }
0x3c: {  	p2 =	seq.s32 s10, $0x1;
	s10 =	sld [smem:$0x3FB6]  }
0x3d: {  	_ =	shalt  }
0x3e: {  	_ =	shalt  }
0x3f: {  	_ =	shalt  }
0x40: {  	_ =	shalt  }
0x41: {  	_ =	shalt  }
0x42: {  	_ =	shalt  }
0x43: {  	_ =	shalt  }
0x44: {  	_ =	shalt  }
0x45: {  	_ =	shalt  }
0x46: {  	_ =	shalt  }
0x47: {  	_ =	shalt  }
0x48: {  	_ =	shalt  }
0x49: {  	_ =	shalt  }
0x4a: {  	_ =	shalt  }
0x4b: {  	_ =	shalt  }
0x4c: {  	_ =	shalt  }
0x4d: {  	_ =	shalt  }
0x4e: {  	_ =	shalt  }
0x4f: {  	_ =	shalt  }
0x50: {  	_ =	shalt  }
0x51: {  	_ =	shalt  }
0x52: {  	_ =	shalt  }
0x53: {  	_ =	shalt  }
0x54: {  	_ =	shalt  }
0x55: {  	_ =	shalt  }
0x56: {  	_ =	shalt  }
0x57: {  	_ =	shalt  }
0x58: {  	_ =	shalt  }
0x59: {  	_ =	shalt  }
0x5a: {  	_ =	shalt  }
0x5b: {  	_ =	shalt  }
0x5c: {  	_ =	shalt  }
0x5d: {  	_ =	shalt  }
0x5e: {  	_ =	shalt  }
0x5f: {  	_ =	shalt  }
0x60: {  	_ =	shalt  }
0x61: {  	_ =	shalt  }
0x62: {  	_ =	shalt  }
0x63: {  	_ =	shalt  }
0x64: {  	_ =	shalt  }
0x65: {  	_ =	shalt  }
0x66: {  	_ =	shalt  }
0x67: {  	_ =	shalt  }
0x68: {  	_ =	shalt  }
0x69: {  	_ =	shalt  }
0x6a: {  	_ =	shalt  }
0x6b: {  	_ =	shalt  }
0x6c: {  	_ =	shalt  }
0x6d: {  	_ =	shalt  }
0x6e: {  	_ =	shalt  }
0x6f: {  	_ =	shalt  }
0x70: {  	_ =	shalt  }
0x71: {  	_ =	shalt  }
0x72: {  	_ =	shalt  }
0x73: {  	_ =	shalt  }
0x74: {  	_ =	shalt  }
0x75: {  	_ =	shalt  }
0x76: {  	_ =	shalt  }
0x77: {  	_ =	shalt  }
0x78: {  	_ =	shalt  }
0x79: {  	_ =	shalt  }
0x7a: {  	_ =	shalt  }
0x7b: {  	_ =	shalt  }
0x7c: {  	_ =	shalt  }
0x7d: {  	_ =	shalt  }
0x7e: {  	_ =	shalt  }
0x7f: {  	_ =	shalt  }
0x80: {  	_ =	shalt  }
0x81: {  	_ =	shalt  }
0x82: {  	_ =	shalt  }
0x83: {  	_ =	shalt  }
0x84: {  	_ =	shalt  }
0x85: {  	_ =	shalt  }
0x86: {  	_ =	shalt  }
0x87: {  	_ =	shalt  }
.Lfunc_end0:
.L_simem_size_0:
called_computation.2_lowered:
.L_overlay_start_0:
0x88: {  	s2 =	sld [smem:$0x3FD9]  }
0x89: {  	s3 =	sld [smem:$0x3FFE];
	_ =	sdelay $0x1  }
0x8a: {  	s1 =	srdreg.scid  }
0x8b: {  	s0 =	sand.u32 $0x1, s1  }
0x8c: {  	s16 =	sshll.u32 s0, $0xA;
	s2 =	sadd.s32 s3, s2  }
0x8d: {  	s2 =	sadd.s32 s2, s16  }
0x8e: {  	[smem:$0x3FC2] =	sst s2  }
0x8f: {  	_ = 	snop  }
0x90: {  	(tm) =	ssettm $0x1  }
0x91: {  	s17 =	sld [smem:$0x3FFB];
	_ =	sdelay $0x3  }
0x92: {  	_ =	strace s17  }
0x93: {  	s2 =	sld [smem:$0x3FFC];
	_ =	sdelay $0x3  }
0x94: {  	_ =	strace s2  }
0x95: {  	s2 =	sld [smem:$0x3FFD];
	_ =	sdelay $0x3  }
0x96: {  	_ =	strace s2  }
0x97: {  	_ =	strace $0x8FFFFFFF  }
0x98: {  	s18 =	sld [smem:$0x3FDB];
	_ =	sdelay $0x1  }
0x99: {  	s19 =	simm.s32 $_scs_section_size  }
0x9a: {  	s4 =	simm.s32 $_size__tile_overlayer_lowered;
	s5 =	simm.s32 $_tile_overlayer_lowered  }
0x9b: {  	s22 =	simm.s32 $0x1BFF;
	s21 =	sshll.u32 s5, $0x1;
	s2 =	sadd.s32 s19, s18  }
0x9c: {  	s6 =	simm.s32 $0x0;
	s20 =	sshll.u32 s4, $0x1;
	s4 =	sadd.s32 s21, s2  }
0x9d: {  	[timem:s6], [sflag:s22] =	dma.local [hbm:s4], s20  }
0x9e: {  	_ =	swait.ge [sflag:s22], s20  }
0x9f: {  	s3 =	ssub.s32 $0x0, s20;
	[sflag:s22] =	ssyncset.done $0x0  }
0xa0: {  	[sflag:s22] =	ssyncadd.s32 s3;
	_ =	sdelay $0x1  }
0xa1: {  	s23 =	simm.s32 $0x1B8B  }
0xa2: {  	_ =	swait.ge [sflag:s23], $0x1  }
0xa3: {  	[sflag:s23] =	ssyncset.done $0x0  }
0xa4: {  	s25 =	simm.s32 $0x1B8E;
	s24 =	sld [smem:$0x3FFE];
	[sflag:s23] =	ssyncadd.s32 $0xFFFFFFFF  }
0xa5: {  	s26 =	simm.s32 $execute0_lowered;
	[smem:$0x3FD2] =	sst s25  }
0xa6: {  	s4 =	sshll.u32 s26, $0x1;
	_ =	strace $0x8000004C;
	[dreg:$0x1] =	wrdreg $0xFFFFFFFF  }
0xa7: {  	s28 =	simm.s32 $_size_execute0_lowered;
	s2 =	sadd.s32 s2, s4;
	[dreg:$0x0] =	wrdreg $0x0  }
0xa8: {  	s4 =	sshll.u32 s28, $0x1;
	[dreg:$0x2] =	wrdreg s2  }
0xa9: {  	[dreg:$0x3] =	wrdreg s4  }
0xaa: {  	[dreg:$0x4] =	wrdreg $0xC0  }
0xab: {  	_ =	task [dreg:s6], $0x5FFFF  }
0xac: {  	[dreg:$0x1] =	wrdreg $0xFFFFFFFF  }
0xad: {  	[dreg:$0x0] =	wrdreg $0x60  }
0xae: {  	[dreg:$0x2] =	wrdreg s24  }
0xaf: {  	[dreg:$0x3] =	wrdreg $0x11F000  }
0xb0: {  	[dreg:$0x4] =	wrdreg $0x9  }
0xb1: {  	_ =	task.clear_ibuf [dreg:s6], $0x5FFFF;
	_ =	strace $0x9000004C  }
0xb2: {  	s29 =	simm.s32 $0x9;
	_ =	strace $0x8000004E  }
0xb3: {  	_ =	swait.ge [sflag:s29], $0x1  }
0xb4: {  	[sflag:s29] =	ssyncadd.s32 $0xFFFFFFFF  }
0xb5: {  	_ =	strace $0x9000004E  }
0xb6: {  	_ =	sfence  }
0xb7: {  	s30 =	sld [smem:$0x0];
	_ =	sdelay $0x2  }
0xb8: {  	s31 =	sshll.u32 s1, $0xD;
	s1 =	sshrl.u32 s1, $0x2  }
0xb9: {  	s3 =	sand.u32 $0x4000, s31;
	s1 =	sadd.s32 s1, s30  }
0xba: {  	s0 =	sor.u32 s3, s0;
	s1 =	sshll.u32 s1, $0x11  }
0xbb: {  	s0 =	sor.u32 s1, s0  }
0xbc: {  	s0 =	sadd.s32 $0x8F2B, s0  }
0xbd: {  	[sflag:s0] =	ssyncadd.remote.s32 $0x1  }
0xbe: {  	_ =	sfence.sel $0xFFFF  }
0xbf: {  	[dreg:$0x0] =	wrdreg $0xFFFFFFFF;
	(pc) =	sbr.abs _section_cstart, $3  }
0xc0: {  	[dreg:$0x1] =	wrdreg $0xFFFFFFFF  }
0xc1: {  	_ =	task.clear_ibuf [dreg:s6], $0x2FFFF;
	_ =	strace $0x9FFFFFFF  }
0xc2: {  	(tm) =	ssettm $0x7FFFFFFF  }
0xc3: {  	_ =	shalt  }
tec
execute0_lowered:
.L_overlay_start_1:
0x0: {  	(tag) =	ssettag $0x1  }
0x1: {  	s1 =	srdreg.scid  }
0x2: {  	s1 =	sand.u32 $0x1, s1  }
0x3: {  	p0 =	seq.s32 s1, $0x1  }
.Ltmp0:
0x4: {  	_ = 	snop;
	(pc) =	sbr.rel @p0 .LBB2_8-.Ltmp0, $4  }
0x5: {  	s4 =	rddreg [dreg:$0x0]  }
0x6: {  	s2 =	rddreg [dreg:$0x1];
	s3 =	simm.s32 $0x0  }
0x7: {  	[smem:$0x7FF] =	sst s3  }
0x8: {  	s0 =	rddreg [dreg:$0x2];
	_ =	strace $0x8000004D;
	s1 =	stileid.u32  }
0x9: {  	p0 =	seq.s32 s1, $0xF;
	s5 =	smul.u32 $0x5000, s1;
	s6 =	sadd.s32 $0x15200, s4  }
0xa: {  	s24 =	sadd.s32 $0x16200, s4;
	s10 =	smul.u32 $0x50, s1;
	s7 =	simm.s32 @p0 $0x0  }
0xb: {  	[tilespmem:s7], [sflag:$0x1] =	stream.linear.gather @p0 [hbm4b:s6+s7], $0x5000, $0x38;
	[tilespmem:$0x14700] =	vst v63  }
0xc: {  	s11 =	sshrl.u32 s1, $0x3;
	s25 =	simm.s32 $0x5000;
	s6 =	simm.s32 @p0 $0x1  }
0xd: {  	s26 =	sshll.u32 s1, $0x7;
	s23 =	sshrl.u32 s5, $0x3;
	_ =	swait.ge @p0 [sflag:s6], $0x5000  }
0xe: {  	s9 =	simm.s32 @!p0 $0x1;
	s7 =	sadd.s32 s23, s4;
	[sflag:s6] =	ssyncset.done @p0 $0x0  }
0xf: {  	s8 =	sadd.s32 $0xE00, s7;
	[sflag:s6] =	ssyncadd.s32 @p0 $0xFFFFB000;
	s6 =	simm.s32 @!p0 $0x0  }
0x10: {  	[tilespmem:s6], [sflag:$0x1] =	stream.linear.gather @!p0 [hbm4b:s8+s6], $0x5000, $0x38;
	[tilespmem:$0x14700] =	vst v63  }
0x11: {  	s29 =	simm.s32 $0x1;
	s31 =	simm.s32 $0xA000;
	_ =	swait.ge @!p0 [sflag:s9], $0x5000  }
0x12: {  	s7 =	sadd.s32 $0xAA80, s7;
	s6 =	sadd.s32 $0x14800, s4;
	[sflag:s9] =	ssyncset.done @!p0 $0x0  }
0x13: {  	s11 =	smul.u32 $0x50000, s11;
	s7 =	smov.u32 @p0 s6;
	[sflag:s9] =	ssyncadd.s32 @!p0 $0xFFFFB000  }
0x14: {  	[tilespmem:s25], [sflag:$0x1] =	stream.linear.gather [hbm4b:s7+s3], $0x5000, $0x38;
	[tilespmem:$0x14700] =	vst v63  }
0x15: {  	s10 =	sadd.s32 s10, s4;
	s30 =	sshrl.u32 s5, $0x2;
	_ =	swait.ge [sflag:s29], $0x5000  }
0x16: {  	s28 =	sshrl.u32 s11, $0x2;
	s5 =	sadd.s32 $0x15C00, s10;
	[sflag:s29] =	ssyncset.done $0x0  }
0x17: {  	s4 =	sadd.s32 $0xB4A00, s10;
	s8 =	simm.s32 $0x0;
	[sflag:s29] =	ssyncadd.s32 $0xFFFFB000  }
0x18: {  	[tilespmem:s31], [sflag:$0x1] =	stream.linear.gather [hbm4b:s24+s3], $0x2780, $0x38;
	[tilespmem:$0x14700] =	vst v63  }
0x19: {  	s6 =	sand.u32 $0x380, s26;
	s7 =	sadd.s32 s28, s2;
	_ =	swait.ge [sflag:s29], $0x2780  }
0x1a: {  	s6 =	sadd.s32 s6, s7;
	s7 =	simm.s32 $0x40;
	[sflag:s29] =	ssyncset.done $0x0  }
0x1b: {  	v0 =	vimm.f32 $0.0e+00;
	s3 =	sadd.s32 s30, s2;
	s2 =	sadd.s32 $0x16800, s10;
	[sflag:s29] =	ssyncadd.s32 $0xFFFFD880  }
.LBB2_2:
0x1c: {  	p0 =	sne.s32 s7, $0x9FC0;
	[tilespmem:s8+$0xC780] =	vst v0;
	s8 =	smov.u32 s7;
	s7 =	sadd.s32 $0x40, s7  }
.Ltmp1:
0x1d: {  	(pc) =	sbr.rel @p0 .LBB2_2-.Ltmp1, $2  }
0x1e: {  	_ =	sdelay $0x2  }
0x1f: {  	s8 =	sshra.s32 s8, $0x2  }
0x20: {  	[tilespmem:s8+$0xC780] =	vst v0;
	s7 =	simm.s32 $0x0;
	s8 =	simm.s32 $0xA000;
	s9 =	simm.s32 $0xC780  }
.LBB2_4:
0x21: {  	s10 =	sshra.s32 s7, $0x2  }
0x22: {  	v0 =	vld [tilespmem:s10+$0x0];
	_ =	sdelay $0x4  }
0x23: {  	v1 =	vld [tilespmem:s10+$0x5000];
	_ =	sdelay $0x2  }
0x24: {  	v0 =	vld.idx.msk [tilespmem:v0+s8+$0x0], $0xffff;
	_ =	sdelay $0x4  }
0x25: {  	[tilespmem:v1+s9+$0x0] =	vst.idx.add.f32.msk $0xffff, v0  }
0x26: {  	v0 =	vld [tilespmem:s10+$0x10];
	_ =	sdelay $0x4  }
0x27: {  	v1 =	vld [tilespmem:s10+$0x5010];
	_ =	sdelay $0x2  }
0x28: {  	v0 =	vld.idx.msk [tilespmem:v0+s8+$0x0], $0xffff;
	_ =	sdelay $0x4  }
0x29: {  	[tilespmem:v1+s9+$0x0] =	vst.idx.add.f32.msk $0xffff, v0  }
0x2a: {  	v0 =	vld [tilespmem:s10+$0x20];
	_ =	sdelay $0x4  }
0x2b: {  	v1 =	vld [tilespmem:s10+$0x5020];
	_ =	sdelay $0x2  }
0x2c: {  	v0 =	vld.idx.msk [tilespmem:v0+s8+$0x0], $0xffff;
	_ =	sdelay $0x4  }
0x2d: {  	[tilespmem:v1+s9+$0x0] =	vst.idx.add.f32.msk $0xffff, v0  }
0x2e: {  	v0 =	vld [tilespmem:s10+$0x30];
	_ =	sdelay $0x4  }
0x2f: {  	v1 =	vld [tilespmem:s10+$0x5030];
	_ =	sdelay $0x2  }
0x30: {  	v0 =	vld.idx.msk [tilespmem:v0+s8+$0x0], $0xffff;
	_ =	sdelay $0x4  }
0x31: {  	[tilespmem:v1+s9+$0x0] =	vst.idx.add.f32.msk $0xffff, v0  }
0x32: {  	v0 =	vld [tilespmem:s10+$0x40];
	_ =	sdelay $0x4  }
0x33: {  	v1 =	vld [tilespmem:s10+$0x5040];
	_ =	sdelay $0x2  }
0x34: {  	v0 =	vld.idx.msk [tilespmem:v0+s8+$0x0], $0xffff;
	_ =	sdelay $0x4  }
0x35: {  	[tilespmem:v1+s9+$0x0] =	vst.idx.add.f32.msk $0xffff, v0  }
0x36: {  	v0 =	vld [tilespmem:s10+$0x50];
	_ =	sdelay $0x4  }
0x37: {  	v1 =	vld [tilespmem:s10+$0x5050];
	_ =	sdelay $0x2  }
0x38: {  	v0 =	vld.idx.msk [tilespmem:v0+s8+$0x0], $0xffff;
	_ =	sdelay $0x4  }
0x39: {  	[tilespmem:v1+s9+$0x0] =	vst.idx.add.f32.msk $0xffff, v0  }
0x3a: {  	v0 =	vld [tilespmem:s10+$0x60];
	_ =	sdelay $0x4  }
0x3b: {  	v1 =	vld [tilespmem:s10+$0x5060];
	_ =	sdelay $0x2  }
0x3c: {  	v0 =	vld.idx.msk [tilespmem:v0+s8+$0x0], $0xffff;
	_ =	sdelay $0x4  }
0x3d: {  	[tilespmem:v1+s9+$0x0] =	vst.idx.add.f32.msk $0xffff, v0  }
0x3e: {  	v0 =	vld [tilespmem:s10+$0x70];
	_ =	sdelay $0x4  }
0x3f: {  	v1 =	vld [tilespmem:s10+$0x5070];
	_ =	sdelay $0x2  }
0x40: {  	p0 =	sne.s32 s7, $0x13E00;
	v0 =	vld.idx.msk [tilespmem:v0+s8+$0x0], $0xffff  }
.Ltmp2:
0x41: {  	_ = 	snop;
	(pc) =	sbr.rel @p0 .LBB2_4-.Ltmp2, $2  }
0x42: {  	_ =	sdelay $0x2  }
0x43: {  	s7 =	sadd.s32 $0x200, s7;
	[tilespmem:v1+s9+$0x0] =	vst.idx.add.f32.msk $0xffff, v0  }
0x44: {  	s7 =	simm.s32 $0x80  }
0x45: {  	s8 =	simm.s32 $0x400;
	s9 =	simm.s32 $0xC780;
	s23 =	simm.s32 $0x1  }
0x46: {  	[spmem:s6] =	stream.strided.scatter [tilespmem:s9], [sflag:$0x1], $0x2800, s8, s7, $0x38;
	[tilespmem:$0x14700] =	vst v63  }
0x47: {  	_ =	swait.ge [sflag:s23], $0x2800  }
0x48: {  	[sflag:s23] =	ssyncset.done $0x0  }
0x49: {  	s24 =	simm.s32 $0x1400;
	[sflag:s23] =	ssyncadd.s32 $0xFFFFD800  }
0x4a: {  	s25 =	simm.s32 $0x14000;
	s26 =	simm.s32 $0xEF80;
	[bflag:$0x0] =	sbarrier.arrive $0xFFFF  }
0x4b: {  	[tilespmem:s26], [sflag:$0x1] =	stream.strided.gather [spmem:s3], $0x2800, s25, s24, $0x38;
	[tilespmem:$0x14700] =	vst v63  }
0x4c: {  	_ =	swait.ge [sflag:s23], $0x2800  }
0x4d: {  	[sflag:s23] =	ssyncset.done $0x0  }
0x4e: {  	s28 =	simm.s32 $0x0;
	s3 =	simm.s32 $0x11780;
	[sflag:s23] =	ssyncadd.s32 $0xFFFFD800  }
0x4f: {  	[tilespmem:s3], [sflag:$0x1] =	stream.linear.gather [hbm4b:s4+s28], $0x280, $0x38;
	[tilespmem:$0x14700] =	vst v63  }
0x50: {  	_ =	swait.ge [sflag:s23], $0x280  }
0x51: {  	[sflag:s23] =	ssyncset.done $0x0  }
0x52: {  	s4 =	simm.s32 $0x11A00;
	[sflag:s23] =	ssyncadd.s32 $0xFFFFFD80  }
0x53: {  	[tilespmem:s4], [sflag:$0x1] =	stream.linear.gather [hbm4b:s5+s28], $0x280, $0x38;
	[tilespmem:$0x14700] =	vst v63  }
0x54: {  	_ =	swait.ge [sflag:s23], $0x280  }
0x55: {  	s29 =	sand.u32 $0x70, s28;
	s7 =	sand.u32 $0x1C00, s28;
	[sflag:s23] =	ssyncset.done $0x0  }
0x56: {  	s5 =	sor.u32 s29, s7;
	[sflag:s23] =	ssyncadd.s32 $0xFFFFFD80  }
0x57: {  	v0 =	vld [tilespmem:s5+$0xF000]  }
0x58: {  	v1 =	vld [tilespmem:s5+$0xEF80];
	_ =	sdelay $0x1  }
0x59: {  	v2 =	vld [tilespmem:s5+$0xF080];
	_ =	sdelay $0x1  }
0x5a: {  	v3 =	vld [tilespmem:s5+$0xF100]  }
0x5b: {  	v0 =	vadd.f32 v0, v1  }
0x5c: {  	v50 =	vld [tilespmem:s5+$0xF180]  }
0x5d: {  	v0 =	vadd.f32 v2, v0  }
0x5e: {  	v51 =	vld [tilespmem:s5+$0xF200]  }
0x5f: {  	v0 =	vadd.f32 v3, v0  }
0x60: {  	v52 =	vld [tilespmem:s5+$0xF280]  }
0x61: {  	v0 =	vadd.f32 v50, v0  }
0x62: {  	v53 =	vld [tilespmem:s5+$0xF300]  }
0x63: {  	v0 =	vadd.f32 v51, v0  }
0x64: {  	v54 =	vld [tilespmem:s5+$0x10380]  }
0x65: {  	v0 =	vadd.f32 v52, v0  }
0x66: {  	v55 =	vld [tilespmem:s5+$0x10400]  }
0x67: {  	v0 =	vadd.f32 v53, v0  }
0x68: {  	v56 =	vld [tilespmem:s5+$0x10480]  }
0x69: {  	v0 =	vadd.f32 v54, v0  }
0x6a: {  	v57 =	vld [tilespmem:s5+$0x10500]  }
0x6b: {  	v0 =	vadd.f32 v55, v0  }
0x6c: {  	v58 =	vld [tilespmem:s5+$0x10580]  }
0x6d: {  	v0 =	vadd.f32 v56, v0  }
0x6e: {  	v59 =	vld [tilespmem:s5+$0x10600]  }
0x6f: {  	v0 =	vadd.f32 v57, v0  }
0x70: {  	v60 =	vld [tilespmem:s5+$0x10680]  }
0x71: {  	v0 =	vadd.f32 v58, v0  }
0x72: {  	v61 =	vld [tilespmem:s5+$0x10700]  }
0x73: {  	v0 =	vadd.f32 v59, v0  }
0x74: {  	v62 =	vld [tilespmem:s3+$0x0]  }
0x75: {  	v0 =	vadd.f32 v60, v0  }
0x76: {  	v63 =	vld [tilespmem:s4+$0x0]  }
0x77: {  	v0 =	vadd.f32 v61, v0;
	_ =	sdelay $0x1  }
0x78: {  	v0 =	vmul.f32 v0, v62;
	_ =	sdelay $0x1  }
0x79: {  	v0 =	vadd.f32 v63, v0;
	_ =	sdelay $0x1  }
0x7a: {  	v0 =	vsub.f32 $0.0e+00, v0;
	_ =	sdelay $0x1  }
0x7b: {  	v0 =	vmul.f32 $1.442695020e+00, v0;
	_ =	sdelay $0x1  }
0x7c: {  	(erf) = vpow2.f32 v0;
	_ =	sdelay $0x8  }
0x7d: {  	v0 =	vpop (erf)  }
0x7e: {  	v0 =	vadd.f32 $1.000000000e+00, v0;
	_ =	sdelay $0x1  }
0x7f: {  	(erf) = vrcp.f32 v0;
	_ =	sdelay $0x7  }
0x80: {  	s30 =	simm.s32 $0x10;
	s6 =	simm.s32 $0x80  }
0x81: {  	s31 =	sand.u32 $0x1C00, s6;
	s7 =	sand.u32 $0x70, s30;
	s5 =	simm.s32 $0x11C80;
	v0 =	vpop (erf)  }
0x82: {  	s8 =	sor.u32 s7, s31;
	s7 =	simm.s32 $0x20;
	[tilespmem:s5+$0x0] =	vst v0  }
.LBB2_6:
0x83: {  	p0 =	sne.s32 s7, $0x270;
	v0 =	vld [tilespmem:s8+$0xF000]  }
0x84: {  	v1 =	vld [tilespmem:s8+$0xEF80];
	_ =	sdelay $0x1  }
0x85: {  	v2 =	vld [tilespmem:s8+$0xF080];
	_ =	sdelay $0x1  }
0x86: {  	v3 =	vld [tilespmem:s8+$0xF100]  }
0x87: {  	v0 =	vadd.f32 v0, v1  }
0x88: {  	v1 =	vld [tilespmem:s8+$0xF180]  }
0x89: {  	v0 =	vadd.f32 v2, v0  }
0x8a: {  	v2 =	vld [tilespmem:s8+$0xF200]  }
0x8b: {  	v0 =	vadd.f32 v3, v0  }
0x8c: {  	v3 =	vld [tilespmem:s8+$0xF280]  }
0x8d: {  	v0 =	vadd.f32 v1, v0  }
0x8e: {  	v1 =	vld [tilespmem:s8+$0xF300]  }
0x8f: {  	v0 =	vadd.f32 v2, v0  }
0x90: {  	v2 =	vld [tilespmem:s8+$0x10380]  }
0x91: {  	v0 =	vadd.f32 v3, v0  }
0x92: {  	v3 =	vld [tilespmem:s8+$0x10400]  }
0x93: {  	v0 =	vadd.f32 v1, v0  }
0x94: {  	v1 =	vld [tilespmem:s8+$0x10480]  }
0x95: {  	v0 =	vadd.f32 v2, v0  }
0x96: {  	v2 =	vld [tilespmem:s8+$0x10500]  }
0x97: {  	v0 =	vadd.f32 v3, v0  }
0x98: {  	v3 =	vld [tilespmem:s8+$0x10580]  }
0x99: {  	v0 =	vadd.f32 v1, v0  }
0x9a: {  	v1 =	vld [tilespmem:s8+$0x10600]  }
0x9b: {  	v0 =	vadd.f32 v2, v0  }
0x9c: {  	v2 =	vld [tilespmem:s8+$0x10680]  }
0x9d: {  	v0 =	vadd.f32 v3, v0  }
0x9e: {  	v3 =	vld [tilespmem:s8+$0x10700]  }
0x9f: {  	s3 =	sadd.s32 $0x10, s3;
	v0 =	vadd.f32 v1, v0  }
0xa0: {  	v1 =	vld [tilespmem:s3+$0x0]  }
0xa1: {  	s4 =	sadd.s32 $0x10, s4;
	v0 =	vadd.f32 v2, v0  }
0xa2: {  	v2 =	vld [tilespmem:s4+$0x0]  }
0xa3: {  	v0 =	vadd.f32 v3, v0;
	_ =	sdelay $0x1  }
0xa4: {  	v0 =	vmul.f32 v0, v1;
	_ =	sdelay $0x1  }
0xa5: {  	v0 =	vadd.f32 v2, v0;
	_ =	sdelay $0x1  }
0xa6: {  	v0 =	vsub.f32 $0.0e+00, v0;
	_ =	sdelay $0x1  }
0xa7: {  	v0 =	vmul.f32 $1.442695020e+00, v0;
	_ =	sdelay $0x1  }
0xa8: {  	(erf) = vpow2.f32 v0;
	_ =	sdelay $0x8  }
0xa9: {  	v0 =	vpop (erf)  }
0xaa: {  	v0 =	vadd.f32 $1.000000000e+00, v0;
	_ =	sdelay $0x1  }
0xab: {  	(erf) = vrcp.f32 v0;
	_ =	sdelay $0x5  }
.Ltmp3:
0xac: {  	(pc) =	sbr.rel @p0 .LBB2_6-.Ltmp3, $4  }
0xad: {  	_ = 	snop  }
0xae: {  	s6 =	sadd.s32 $0x80, s6  }
0xaf: {  	s5 =	sadd.s32 $0x10, s5;
	s9 =	sand.u32 $0x1C00, s6;
	s8 =	sand.u32 $0x70, s7;
	v0 =	vpop (erf)  }
0xb0: {  	s7 =	sadd.s32 $0x10, s7;
	s8 =	sor.u32 s8, s9;
	[tilespmem:s5+$0x0] =	vst v0  }
0xb1: {  	v0 =	vld [tilespmem:s8+$0xF000]  }
0xb2: {  	v1 =	vld [tilespmem:s8+$0xEF80];
	_ =	sdelay $0x1  }
0xb3: {  	v2 =	vld [tilespmem:s8+$0xF080];
	_ =	sdelay $0x1  }
0xb4: {  	v3 =	vld [tilespmem:s8+$0xF100]  }
0xb5: {  	v0 =	vadd.f32 v0, v1  }
0xb6: {  	v50 =	vld [tilespmem:s8+$0xF180]  }
0xb7: {  	v0 =	vadd.f32 v2, v0  }
0xb8: {  	v51 =	vld [tilespmem:s8+$0xF200]  }
0xb9: {  	v0 =	vadd.f32 v3, v0  }
0xba: {  	v52 =	vld [tilespmem:s8+$0xF280]  }
0xbb: {  	v0 =	vadd.f32 v50, v0  }
0xbc: {  	v53 =	vld [tilespmem:s8+$0xF300]  }
0xbd: {  	v0 =	vadd.f32 v51, v0  }
0xbe: {  	v54 =	vld [tilespmem:s8+$0x10380]  }
0xbf: {  	v0 =	vadd.f32 v52, v0  }
0xc0: {  	v55 =	vld [tilespmem:s8+$0x10400]  }
0xc1: {  	v0 =	vadd.f32 v53, v0  }
0xc2: {  	v56 =	vld [tilespmem:s8+$0x10480]  }
0xc3: {  	v0 =	vadd.f32 v54, v0  }
0xc4: {  	v57 =	vld [tilespmem:s8+$0x10500]  }
0xc5: {  	v0 =	vadd.f32 v55, v0  }
0xc6: {  	v58 =	vld [tilespmem:s8+$0x10580]  }
0xc7: {  	v0 =	vadd.f32 v56, v0  }
0xc8: {  	v59 =	vld [tilespmem:s8+$0x10600]  }
0xc9: {  	v0 =	vadd.f32 v57, v0  }
0xca: {  	v60 =	vld [tilespmem:s8+$0x10680]  }
0xcb: {  	v0 =	vadd.f32 v58, v0  }
0xcc: {  	v61 =	vld [tilespmem:s8+$0x10700]  }
0xcd: {  	s3 =	sadd.s32 $0x10, s3;
	v0 =	vadd.f32 v59, v0  }
0xce: {  	v62 =	vld [tilespmem:s3+$0x0]  }
0xcf: {  	s26 =	sadd.s32 $0x10, s4;
	v0 =	vadd.f32 v60, v0  }
0xd0: {  	v63 =	vld [tilespmem:s26+$0x0]  }
0xd1: {  	v0 =	vadd.f32 v61, v0;
	_ =	sdelay $0x1  }
0xd2: {  	v0 =	vmul.f32 v0, v62;
	_ =	sdelay $0x1  }
0xd3: {  	v0 =	vadd.f32 v63, v0;
	_ =	sdelay $0x1  }
0xd4: {  	v0 =	vsub.f32 $0.0e+00, v0;
	_ =	sdelay $0x1  }
0xd5: {  	v0 =	vmul.f32 $1.442695020e+00, v0;
	_ =	sdelay $0x1  }
0xd6: {  	(erf) = vpow2.f32 v0;
	_ =	sdelay $0x8  }
0xd7: {  	v0 =	vpop (erf)  }
0xd8: {  	v0 =	vadd.f32 $1.000000000e+00, v0;
	_ =	sdelay $0x1  }
0xd9: {  	(erf) = vrcp.f32 v0;
	_ =	sdelay $0x8  }
0xda: {  	s28 =	sadd.s32 $0x10, s5;
	v0 =	vpop (erf)  }
0xdb: {  	s29 =	simm.s32 $0x0;
	s30 =	simm.s32 $0x11C80;
	s31 =	simm.s32 $0x1;
	[tilespmem:s28+$0x0] =	vst v0  }
0xdc: {  	[hbm4b:s2+s29] =	stream.linear.scatter [tilespmem:s30], [sflag:$0x1], $0x280, $0x38;
	[tilespmem:$0x14700] =	vst v63  }
0xdd: {  	_ =	swait.ge [sflag:s31], $0x280  }
0xde: {  	[sflag:s31] =	ssyncset.done $0x0  }
0xdf: {  	[sflag:s31] =	ssyncadd.s32 $0xFFFFFD80  }
.LBB2_8:
0xe0: {  	_ =	sfence.sel $0x180000  }
0xe1: {  	[bflag:$0x0] =	sbarrier.arrive $0xFFFF  }
0xe2: {  	p0 =	sne.s32 s1, $0x0;
	_ =	strace $0x9000004D  }
0xe3: {  	s0 =	sadd.s32 @!p0 $0x100000, s0;
	[bflag:$0x2] =	sbarrier.arrive $0xFFFF  }
0xe4: {  	[sflag:s0] =	ssyncadd.tile.s32 @!p0 $0x1;
	_ =	shalt  }
.Lfunc_end2:
_tile_overlayer_lowered:
.L_overlay_start_2:
0xe5: {  	(tag) =	ssettag $0x2  }
0xe6: {  	s0 =	rddreg [dreg:$0x0];
	s2 =	stileid.u32  }
0xe7: {  	s1 =	rddreg [dreg:$0x1];
	p0 =	sne.s32 s2, $0x0  }
0xe8: {  	s3 =	rddreg [dreg:$0x2];
	[bflag:$0x3] =	sbarrier.arrive $0xFFFF;
	s2 =	simm.s32 @!p0 $0x1C01  }
0xe9: {  	[timem:s3], [sflag:s2] =	dma.local @!p0 [hbm:s0], s1  }
0xea: {  	s0 =	simm.s32 @!p0 $0x1  }
0xeb: {  	_ =	swait.ge @!p0 [sflag:s0], s1  }
0xec: {  	s1 =	ssub.s32 @!p0 $0x0, s1;
	[sflag:s0] =	ssyncset.done @!p0 $0x0  }
0xed: {  	[sflag:s0] =	ssyncadd.s32 @!p0 s1  }
0xee: {  	[bflag:$0x3] =	sbarrier.arrive $0xFFFF  }
0xef: {  	_ =	shalt  }

// kernel: kernel.8.cloned.1.call-start
scs
__scs_entry_jumppad:
0x0: {  	(pc) =	sbr.rel $0x88, $3  }
0x1: {  	(tag) =	ssettag $0x0;
	lr =	simm.s32 $0x1  }
0x2: {  	[smem:$0x3F9B] =	sst lr;
	_ =	strace $0xD0000000  }
0x3: {  	_ = 	snop  }
0x4: {  	_ = 	snop  }
0x5: {  	_ = 	snop  }
0x6: {  	_ = 	snop  }
0x7: {  	_ = 	snop  }
__scs_overlays_trampoline_lowered:
0x8: {  	[smem:$0x3FAA] =	sst s0  }
0x9: {  	[smem:$0x3FAB] =	sst s1  }
0xa: {  	[smem:$0x3FAC] =	sst s2  }
0xb: {  	[smem:$0x3FAD] =	sst s3  }
0xc: {  	[smem:$0x3FAE] =	sst s4  }
0xd: {  	[smem:$0x3FAF] =	sst s5  }
0xe: {  	[smem:$0x3FB0] =	sst s6  }
0xf: {  	[smem:$0x3FB1] =	sst s7  }
0x10: {  	[smem:$0x3FB2] =	sst s8  }
0x11: {  	[smem:$0x3FB3] =	sst s9;
	s0 =	simm.s32 @!p0 $0x0  }
0x12: {  	s1 =	sld [smem:$0x3F99];
	s0 =	simm.s32 @p0 $0x1  }
0x13: {  	[smem:$0x3FB4] =	sst s0;
	s0 =	simm.s32 @!p1 $0x0  }
0x14: {  	s2 =	sld [smem:$0x3F98];
	s0 =	simm.s32 @p1 $0x1  }
0x15: {  	[smem:$0x3FB5] =	sst s0;
	s0 =	simm.s32 @!p2 $0x0  }
0x16: {  	s3 =	sld [smem:$0x3FDB];
	s0 =	simm.s32 @p2 $0x1  }
0x17: {  	s4 =	simm.s32 $0x1BF5;
	[smem:$0x3FB7] =	sst s0  }
0x18: {  	s0 =	sld [smem:$0x3F9A];
	_ =	swait.ge [sflag:s4], $0x0  }
0x19: {  	s7 =	sld [smem:$0x3F9B]  }
0x1a: {  	s8 =	sadd.s32 $0xFFFFE003, lr  }
0x1b: {  	s9 =	sadd.s32 $0xFFFFFEF7, lr;
	s5 =	simm.s32 $0xFFFFFFFF;
	p2 =	slt.u32 s8, $0xFFFFF086  }
0x1c: {  	p1 =	slt.u32 s9, $0xF7A;
	s5 =	simm.s32 @!p2 $0x0  }
0x1d: {  	s5 =	simm.s32 @p1 $0x1;
	p0 =	seq.s32 s7, s2  }
0x1e: {  	s7 =	smul.u32 @!p0 $0xF7A, s2;
	p2 =	seq.s32 @!p0 s5, $0x0  }
0x1f: {  	s9 =	smul.u32 $0xF7A, s1;
	s8 =	simm.s32 @!p0 $0x1BF5;
	p2 =	por !p2, p0  }
0x20: {  	[sflag:s8] =	ssyncset.s32 @!p0 $0xFFFFF086;
	s6 =	sadd.s32 @!p0 s3, s7;
	s7 =	simm.s32 @!p0 $0x108  }
0x21: {  	s3 =	sadd.s32 s3, s9;
	s6 =	sadd.s32 @!p0 $0x88, s6;
	s7 =	simm.s32 @p2 $0x1082  }
0x22: {  	[simem:s7], [sflag:s8] =	dma.local @!p0 [hbm:s6], $0xF7A  }
0x23: {  	s9 =	sor.u32 $0xD0000000, s2;
	s6 =	simm.s32 $0x108;
	_ =	swait.ge @!p0 [sflag:s8], $0x0  }
0x24: {  	s3 =	sadd.s32 $0x88, s3;
	s6 =	simm.s32 @!p1 $0x1082;
	[sflag:s4] =	ssyncset.s32 $0xFFFFF086  }
0x25: {  	[simem:s6], [sflag:s4] =	dma.local [hbm:s3], $0xF7A  }
0x26: {  	[smem:$0x3F9B] =	sst s1;
	(tag) =	ssettag s2;
	_ =	strace s9  }
0x27: {  	s1 =	sld [smem:$0x3FAB]  }
0x28: {  	s2 =	sld [smem:$0x3FAC]  }
0x29: {  	s4 =	sld [smem:$0x3FAE]  }
0x2a: {  	p0 =	seq.s32 s5, $0x0;
	s5 =	sld [smem:$0x3FAF]  }
0x2b: {  	s6 =	sld [smem:$0x3FB0]  }
0x2c: {  	s7 =	sld [smem:$0x3FB1]  }
0x2d: {  	s3 =	simm.s32 $0x108;
	s8 =	sld [smem:$0x3FB2]  }
0x2e: {  	s3 =	simm.s32 @!p0 $0x1082;
	s9 =	sld [smem:$0x3FB3]  }
0x2f: {  	lr =	sadd.s32 s0, s3;
	s0 =	sld [smem:$0x3FAA]  }
0x30: {  	s3 =	sld [smem:$0x3FAD]  }
0x31: {  	[smem:$0x3FB6] =	sst s10  }
0x32: {  	s10 =	sld [smem:$0x3FB4];
	_ =	sdelay $0x3  }
0x33: {  	p0 =	seq.s32 s10, $0x1;
	s10 =	sld [smem:$0x3FB6];
	_ =	sdelay $0x3  }
0x34: {  	[smem:$0x3FB6] =	sst s10  }
0x35: {  	s10 =	sld [smem:$0x3FB5];
	_ =	sdelay $0x3  }
0x36: {  	p1 =	seq.s32 s10, $0x1;
	s10 =	sld [smem:$0x3FB6];
	_ =	sdelay $0x3  }
0x37: {  	[smem:$0x3FB6] =	sst s10  }
0x38: {  	s10 =	sld [smem:$0x3FB7]  }
0x39: {  	_ = 	snop;
	(pc) =	sbr.ind lr, $3  }
0x3a: {  	_ = 	snop  }
0x3b: {  	_ = 	snop  }
0x3c: {  	p2 =	seq.s32 s10, $0x1;
	s10 =	sld [smem:$0x3FB6]  }
0x3d: {  	_ =	shalt  }
0x3e: {  	_ =	shalt  }
0x3f: {  	_ =	shalt  }
0x40: {  	_ =	shalt  }
0x41: {  	_ =	shalt  }
0x42: {  	_ =	shalt  }
0x43: {  	_ =	shalt  }
0x44: {  	_ =	shalt  }
0x45: {  	_ =	shalt  }
0x46: {  	_ =	shalt  }
0x47: {  	_ =	shalt  }
0x48: {  	_ =	shalt  }
0x49: {  	_ =	shalt  }
0x4a: {  	_ =	shalt  }
0x4b: {  	_ =	shalt  }
0x4c: {  	_ =	shalt  }
0x4d: {  	_ =	shalt  }
0x4e: {  	_ =	shalt  }
0x4f: {  	_ =	shalt  }
0x50: {  	_ =	shalt  }
0x51: {  	_ =	shalt  }
0x52: {  	_ =	shalt  }
0x53: {  	_ =	shalt  }
0x54: {  	_ =	shalt  }
0x55: {  	_ =	shalt  }
0x56: {  	_ =	shalt  }
0x57: {  	_ =	shalt  }
0x58: {  	_ =	shalt  }
0x59: {  	_ =	shalt  }
0x5a: {  	_ =	shalt  }
0x5b: {  	_ =	shalt  }
0x5c: {  	_ =	shalt  }
0x5d: {  	_ =	shalt  }
0x5e: {  	_ =	shalt  }
0x5f: {  	_ =	shalt  }
0x60: {  	_ =	shalt  }
0x61: {  	_ =	shalt  }
0x62: {  	_ =	shalt  }
0x63: {  	_ =	shalt  }
0x64: {  	_ =	shalt  }
0x65: {  	_ =	shalt  }
0x66: {  	_ =	shalt  }
0x67: {  	_ =	shalt  }
0x68: {  	_ =	shalt  }
0x69: {  	_ =	shalt  }
0x6a: {  	_ =	shalt  }
0x6b: {  	_ =	shalt  }
0x6c: {  	_ =	shalt  }
0x6d: {  	_ =	shalt  }
0x6e: {  	_ =	shalt  }
0x6f: {  	_ =	shalt  }
0x70: {  	_ =	shalt  }
0x71: {  	_ =	shalt  }
0x72: {  	_ =	shalt  }
0x73: {  	_ =	shalt  }
0x74: {  	_ =	shalt  }
0x75: {  	_ =	shalt  }
0x76: {  	_ =	shalt  }
0x77: {  	_ =	shalt  }
0x78: {  	_ =	shalt  }
0x79: {  	_ =	shalt  }
0x7a: {  	_ =	shalt  }
0x7b: {  	_ =	shalt  }
0x7c: {  	_ =	shalt  }
0x7d: {  	_ =	shalt  }
0x7e: {  	_ =	shalt  }
0x7f: {  	_ =	shalt  }
0x80: {  	_ =	shalt  }
0x81: {  	_ =	shalt  }
0x82: {  	_ =	shalt  }
0x83: {  	_ =	shalt  }
0x84: {  	_ =	shalt  }
0x85: {  	_ =	shalt  }
0x86: {  	_ =	shalt  }
0x87: {  	_ =	shalt  }
.Lfunc_end0:
.L_simem_size_0:
called_computation_lowered:
.L_overlay_start_0:
0x88: {  	s2 =	sld [smem:$0x3FD9]  }
0x89: {  	s3 =	sld [smem:$0x3FFE];
	_ =	sdelay $0x1  }
0x8a: {  	s1 =	srdreg.scid  }
0x8b: {  	s0 =	sand.u32 $0x1, s1  }
0x8c: {  	s16 =	sshll.u32 s0, $0xA;
	s2 =	sadd.s32 s3, s2  }
0x8d: {  	s2 =	sadd.s32 s2, s16  }
0x8e: {  	[smem:$0x3FC2] =	sst s2  }
0x8f: {  	_ = 	snop  }
0x90: {  	(tm) =	ssettm $0x1  }
0x91: {  	s17 =	sld [smem:$0x3FFB];
	_ =	sdelay $0x3  }
0x92: {  	_ =	strace s17  }
0x93: {  	s2 =	sld [smem:$0x3FFC];
	_ =	sdelay $0x3  }
0x94: {  	_ =	strace s2  }
0x95: {  	s2 =	sld [smem:$0x3FFD];
	_ =	sdelay $0x3  }
0x96: {  	_ =	strace s2  }
0x97: {  	_ =	strace $0x8FFFFFFF  }
0x98: {  	s18 =	sld [smem:$0x3FDB];
	_ =	sdelay $0x1  }
0x99: {  	s19 =	simm.s32 $_scs_section_size  }
0x9a: {  	s4 =	simm.s32 $_size__tile_overlayer_lowered;
	s5 =	simm.s32 $_tile_overlayer_lowered  }
0x9b: {  	s22 =	simm.s32 $0x1BFF;
	s21 =	sshll.u32 s5, $0x1;
	s2 =	sadd.s32 s19, s18  }
0x9c: {  	s6 =	simm.s32 $0x0;
	s20 =	sshll.u32 s4, $0x1;
	s4 =	sadd.s32 s21, s2  }
0x9d: {  	[timem:s6], [sflag:s22] =	dma.local [hbm:s4], s20  }
0x9e: {  	_ =	swait.ge [sflag:s22], s20  }
0x9f: {  	s3 =	ssub.s32 $0x0, s20;
	[sflag:s22] =	ssyncset.done $0x0  }
0xa0: {  	[sflag:s22] =	ssyncadd.s32 s3;
	_ =	sdelay $0x1  }
0xa1: {  	s23 =	simm.s32 $0x1B8B  }
0xa2: {  	_ =	swait.ge [sflag:s23], $0x1  }
0xa3: {  	[sflag:s23] =	ssyncset.done $0x0  }
0xa4: {  	s25 =	simm.s32 $0x1B8E;
	s24 =	sld [smem:$0x3FFE];
	[sflag:s23] =	ssyncadd.s32 $0xFFFFFFFF  }
0xa5: {  	s26 =	simm.s32 $execute0_lowered;
	[smem:$0x3FD2] =	sst s25  }
0xa6: {  	s4 =	sshll.u32 s26, $0x1;
	_ =	strace $0x80000046;
	[dreg:$0x1] =	wrdreg $0xFFFFFFFF  }
0xa7: {  	s28 =	simm.s32 $_size_execute0_lowered;
	s2 =	sadd.s32 s2, s4;
	[dreg:$0x0] =	wrdreg $0x0  }
0xa8: {  	s4 =	sshll.u32 s28, $0x1;
	[dreg:$0x2] =	wrdreg s2  }
0xa9: {  	[dreg:$0x3] =	wrdreg s4  }
0xaa: {  	[dreg:$0x4] =	wrdreg $0xC0  }
0xab: {  	_ =	task [dreg:s6], $0x5FFFF  }
0xac: {  	[dreg:$0x1] =	wrdreg $0xFFFFFFFF  }
0xad: {  	[dreg:$0x0] =	wrdreg $0x60  }
0xae: {  	[dreg:$0x2] =	wrdreg s24  }
0xaf: {  	[dreg:$0x3] =	wrdreg $0x9  }
0xb0: {  	_ =	task.clear_ibuf [dreg:s6], $0x4FFFF;
	_ =	strace $0x90000046  }
0xb1: {  	s29 =	simm.s32 $0x9;
	_ =	strace $0x80000048  }
0xb2: {  	_ =	swait.ge [sflag:s29], $0x1  }
0xb3: {  	[sflag:s29] =	ssyncadd.s32 $0xFFFFFFFF  }
0xb4: {  	_ =	strace $0x90000048  }
0xb5: {  	_ =	sfence  }
0xb6: {  	s30 =	sld [smem:$0x0];
	_ =	sdelay $0x2  }
0xb7: {  	s31 =	sshll.u32 s1, $0xD;
	s1 =	sshrl.u32 s1, $0x2  }
0xb8: {  	s3 =	sand.u32 $0x4000, s31;
	s1 =	sadd.s32 s1, s30  }
0xb9: {  	s0 =	sor.u32 s3, s0;
	s1 =	sshll.u32 s1, $0x11  }
0xba: {  	s0 =	sor.u32 s1, s0  }
0xbb: {  	s0 =	sadd.s32 $0x8F2B, s0  }
0xbc: {  	[sflag:s0] =	ssyncadd.remote.s32 $0x1  }
0xbd: {  	_ =	sfence.sel $0xFFFF  }
0xbe: {  	[dreg:$0x0] =	wrdreg $0xFFFFFFFF;
	(pc) =	sbr.abs _section_cstart, $3  }
0xbf: {  	[dreg:$0x1] =	wrdreg $0xFFFFFFFF  }
0xc0: {  	_ =	task.clear_ibuf [dreg:s6], $0x2FFFF;
	_ =	strace $0x9FFFFFFF  }
0xc1: {  	(tm) =	ssettm $0x7FFFFFFF  }
tec
execute0_lowered:
.L_overlay_start_1:
0x0: {  	(tag) =	ssettag $0x1  }
0x1: {  	s0 =	srdreg.scid  }
0x2: {  	s3 =	sand.u32 $0x1, s0  }
0x3: {  	s0 =	stileid.u32;
	s1 =	sshll.u32 s3, $0x4  }
0x4: {  	s4 =	rddreg [dreg:$0x0];
	s2 =	simm.s32 $0x0;
	s5 =	sor.u32 s0, s1  }
0x5: {  	[smem:$0x7FF] =	sst s2;
	s6 =	smul.u32 $0x2800, s5  }
0x6: {  	s3 =	ssub.s32 $0x2, s3;
	s1 =	rddreg [dreg:$0x1];
	_ =	strace $0x80000047  }
0x7: {  	s9 =	sshrl.u32 s3, $0x1;
	s8 =	smul.u32 $0x500, s5;
	s7 =	sadd.s32 $0xFFFB5000, s6  }
0x8: {  	s9 =	ssub.s32 s3, s9;
	p0 =	slt.u32 s5, $0x1E;
	s7 =	sshrl.u32 s7, $0x3  }
0x9: {  	s5 =	smax.u32 s9, $0x1;
	s6 =	sshrl.u32 s6, $0x3;
	s7 =	sadd.s32 s7, s4  }
0xa: {  	s8 =	sadd.s32 s8, s4;
	s4 =	sadd.s32 s4, s6;
	s3 =	sadd.s32 $0x14800, s7  }
0xb: {  	s6 =	sadd.s32 $0xAA80, s4;
	s4 =	sadd.s32 $0x15C00, s8;
	s7 =	simm.s32 $0x2800  }
0xc: {  	v0 =	vimm.f32 $0.0e+00;
	v1 =	vimm.f32 $1.000000000e+00;
	s8 =	simm.s32 $0x0;
	s3 =	smov.u32 @p0 s6;
	s6 =	simm.s32 $0x1  }
.LBB2_1:
0xd: {  	[tilespmem:s2], [sflag:$0x1] =	stream.linear.gather [hbm4b:s3+s2], $0x2800, $0x38;
	[tilespmem:$0x5000] =	vst v63  }
0xe: {  	_ =	swait.ge [sflag:s6], $0x2800  }
0xf: {  	[sflag:s6] =	ssyncset.done $0x0  }
0x10: {  	s9 =	simm.s32 $0x0;
	[sflag:s6] =	ssyncadd.s32 $0xFFFFD800  }
.LBB2_2:
0x11: {  	p0 =	sne.s32 s9, $0x9FC0  }
.Ltmp0:
0x12: {  	_ = 	snop;
	(pc) =	sbr.rel @p0 .LBB2_2-.Ltmp0, $3  }
0x13: {  	_ =	sdelay $0x1  }
0x14: {  	s10 =	sshra.s32 s9, $0x2  }
0x15: {  	s9 =	sadd.s32 $0x40, s9;
	[tilespmem:s10+$0x2800] =	vst v0  }
0x16: {  	s9 =	simm.s32 $0x1C0  }
.LBB2_4:
0x17: {  	s10 =	sshra.s32 s9, $0x2  }
0x18: {  	v2 =	vld [tilespmem:s10+$0xFFFFFF90];
	_ =	sdelay $0x7  }
0x19: {  	[tilespmem:v2+s7+$0x0] =	vst.idx.add.f32.msk $0xffff, v1  }
0x1a: {  	v2 =	vld [tilespmem:s10+$0xFFFFFFA0];
	_ =	sdelay $0x7  }
0x1b: {  	[tilespmem:v2+s7+$0x0] =	vst.idx.add.f32.msk $0xffff, v1  }
0x1c: {  	v2 =	vld [tilespmem:s10+$0xFFFFFFB0];
	_ =	sdelay $0x7  }
0x1d: {  	[tilespmem:v2+s7+$0x0] =	vst.idx.add.f32.msk $0xffff, v1  }
0x1e: {  	v2 =	vld [tilespmem:s10+$0xFFFFFFC0];
	_ =	sdelay $0x7  }
0x1f: {  	[tilespmem:v2+s7+$0x0] =	vst.idx.add.f32.msk $0xffff, v1  }
0x20: {  	v2 =	vld [tilespmem:s10+$0xFFFFFFD0];
	_ =	sdelay $0x7  }
0x21: {  	[tilespmem:v2+s7+$0x0] =	vst.idx.add.f32.msk $0xffff, v1  }
0x22: {  	v2 =	vld [tilespmem:s10+$0xFFFFFFE0];
	_ =	sdelay $0x7  }
0x23: {  	[tilespmem:v2+s7+$0x0] =	vst.idx.add.f32.msk $0xffff, v1  }
0x24: {  	v2 =	vld [tilespmem:s10+$0xFFFFFFF0];
	_ =	sdelay $0x7  }
0x25: {  	[tilespmem:v2+s7+$0x0] =	vst.idx.add.f32.msk $0xffff, v1  }
0x26: {  	v2 =	vld [tilespmem:s10+$0x0];
	_ =	sdelay $0x2  }
0x27: {  	p0 =	sne.s32 s9, $0x9FC0  }
.Ltmp1:
0x28: {  	_ = 	snop;
	(pc) =	sbr.rel @p0 .LBB2_4-.Ltmp1, $2  }
0x29: {  	_ =	sdelay $0x2  }
0x2a: {  	s9 =	sadd.s32 $0x200, s9;
	[tilespmem:v2+s7+$0x0] =	vst.idx.add.f32.msk $0xffff, v1  }
0x2b: {  	s8 =	sadd.s32 $0x1, s8  }
0x2c: {  	p0 =	sne.s32 s8, s5  }
.Ltmp2:
0x2d: {  	_ = 	snop;
	(pc) =	sbr.rel @p0 .LBB2_1-.Ltmp2, $4  }
0x2e: {  	[hbm4b:s4+s2] =	stream.linear.scatter [tilespmem:s7], [sflag:$0x1], $0x2800, $0x38;
	[tilespmem:$0x5000] =	vst v63  }
0x2f: {  	_ =	swait.ge [sflag:s6], $0x2800  }
0x30: {  	[sflag:s6] =	ssyncset.done $0x0  }
0x31: {  	[sflag:s6] =	ssyncadd.s32 $0xFFFFD800  }
0x32: {  	_ =	sfence.sel $0x180000  }
0x33: {  	[bflag:$0x0] =	sbarrier.arrive $0xFFFF  }
0x34: {  	p0 =	sne.s32 s0, $0x0;
	_ =	strace $0x90000047  }
0x35: {  	s0 =	sadd.s32 @!p0 $0x100000, s1;
	[bflag:$0x2] =	sbarrier.arrive $0xFFFF  }
0x36: {  	[sflag:s0] =	ssyncadd.tile.s32 @!p0 $0x1;
	_ =	shalt  }
.Lfunc_end2:
_tile_overlayer_lowered:
.L_overlay_start_2:
0x37: {  	(tag) =	ssettag $0x2  }
0x38: {  	s0 =	rddreg [dreg:$0x0];
	s2 =	stileid.u32  }
0x39: {  	s1 =	rddreg [dreg:$0x1];
	p0 =	sne.s32 s2, $0x0  }
0x3a: {  	s3 =	rddreg [dreg:$0x2];
	[bflag:$0x3] =	sbarrier.arrive $0xFFFF;
	s2 =	simm.s32 @!p0 $0x1C01  }
0x3b: {  	[timem:s3], [sflag:s2] =	dma.local @!p0 [hbm:s0], s1  }
0x3c: {  	s0 =	simm.s32 @!p0 $0x1  }
0x3d: {  	_ =	swait.ge @!p0 [sflag:s0], s1  }
0x3e: {  	s1 =	ssub.s32 @!p0 $0x0, s1;
	[sflag:s0] =	ssyncset.done @!p0 $0x0  }
0x3f: {  	[sflag:s0] =	ssyncadd.s32 @!p0 s1  }
0x40: {  	[bflag:$0x3] =	sbarrier.arrive $0xFFFF  }
0x41: {  	_ =	shalt  }

</sc_bundles>
